<compile_context>
chip_gen: v7x
topology: tpu7x:2x2x1
jax: 0.10.2.dev20260603
libtpu: 0.0.44.dev20260713+nightly
codegen_flags: <defaults>
</compile_context>

<pallas_src>
import functools

import jax
import jax.numpy as jnp
from jax import lax
from jax.experimental import pallas as pl
from jax.experimental.pallas import tpu as pltpu
from jax.experimental.pallas import tpu_sc as plsc

NC = 2
NS = 16
L = 16
NW = NC * NS
CH = 128


def _degree_fn(n_pad, n_chunks):
  rpt = n_pad // NS
  mesh = plsc.VectorSubcoreMesh(core_axis_name="c", subcore_axis_name="s", num_cores=NC, num_subcores=NS)

  @functools.partial(
      pl.kernel,
      out_type=jax.ShapeDtypeStruct((NC, n_pad, L), jnp.float32),
      mesh=mesh,
      scratch_types=[
          pltpu.VMEM((n_chunks, CH), jnp.int32),
          pltpu.VMEM((CH, L), jnp.float32),
          pltpu.VMEM_SHARED((n_pad, L), jnp.float32),
      ],
      compiler_params=pltpu.CompilerParams(use_tc_tiling_on_sc=False),
  )
  def deg_kernel(dst3, ones_rows, zeros_rows, out, idx_v, ones_v, hist_sh):
    c = lax.axis_index("c")
    s = lax.axis_index("s")
    w = c * NS + s
    sl = pl.ds(s * rpt, rpt)
    pltpu.sync_copy(dst3.at[w], idx_v)
    pltpu.sync_copy(ones_rows, ones_v)
    pltpu.sync_copy(zeros_rows, hist_sh.at[sl])
    plsc.subcore_barrier()

    def body(j):
      pltpu.sync_copy(ones_v, hist_sh.at[idx_v.at[j]], add=True)

    pl.loop(0, n_chunks)(body)

    plsc.subcore_barrier()
    pltpu.sync_copy(hist_sh.at[sl], out.at[c, sl])

  return deg_kernel


def _gather_scatter_fn(n_pad, n_chunks, dh):
  rpt = n_pad // NS
  half = n_chunks // 2
  mesh = plsc.VectorSubcoreMesh(core_axis_name="c", subcore_axis_name="s", num_cores=NC, num_subcores=NS)

  @functools.partial(
      pl.kernel,
      out_type=jax.ShapeDtypeStruct((NC, n_pad, dh), jnp.float32),
      mesh=mesh,
      scratch_types=[
          pltpu.VMEM((n_chunks, CH), jnp.int32),
          pltpu.VMEM((n_chunks, CH), jnp.int32),
          pltpu.VMEM((CH, dh), jnp.float32),
          pltpu.VMEM((CH, dh), jnp.float32),
          pltpu.SemaphoreType.DMA,
          pltpu.SemaphoreType.DMA,
          pltpu.VMEM_SHARED((n_pad, dh), jnp.float32),
      ],
      compiler_params=pltpu.CompilerParams(use_tc_tiling_on_sc=False),
  )
  def gs_kernel(src3a, src3b, dst3, xwp, out,
                sidx, didx, buf0, buf1, sem0, sem1, agg_sh):
    c = lax.axis_index("c")
    s = lax.axis_index("s")
    sl = pl.ds(s * rpt, rpt)

    @pl.when(c == 0)
    def _():
      pltpu.sync_copy(src3a.at[s], sidx)

    @pl.when(c != 0)
    def _():
      pltpu.sync_copy(src3b.at[s], sidx)

    pltpu.sync_copy(dst3.at[s], didx)
    pltpu.sync_copy(xwp.at[pl.ds(c * n_pad + s * rpt, rpt)], agg_sh.at[sl])
    plsc.subcore_barrier()

    pltpu.async_copy(xwp.at[sidx.at[0]], buf0, sem0)

    def body(j):
      k = 2 * j
      pltpu.make_async_copy(xwp.at[sidx.at[k]], buf0, sem0).wait()
      pltpu.async_copy(xwp.at[sidx.at[k + 1]], buf1, sem1)
      pltpu.sync_copy(buf0, agg_sh.at[didx.at[k]], add=True)
      pltpu.make_async_copy(xwp.at[sidx.at[k + 1]], buf1, sem1).wait()

      @pl.when(j < half - 1)
      def _():
        pltpu.async_copy(xwp.at[sidx.at[k + 2]], buf0, sem0)

      pltpu.sync_copy(buf1, agg_sh.at[didx.at[k + 1]], add=True)

    pl.loop(0, half)(body)

    plsc.subcore_barrier()
    pltpu.sync_copy(agg_sh.at[sl], out.at[c, sl])

  return gs_kernel


def _mm_body(x_ref, w_ref, hist_ref, xwp_ref, dinv_ref):
  deg = hist_ref[0, :, 0:1] + hist_ref[1, :, 0:1] + 1.0
  dinv = lax.rsqrt(deg)
  xw = jnp.dot(x_ref[...], w_ref[...], preferred_element_type=jnp.float32)
  xws = xw * dinv
  dh = xw.shape[1] // NC
  xwp_ref[0] = xws[:, :dh]
  xwp_ref[1] = xws[:, dh:]
  dinv_ref[...] = dinv


def _ln_body(p_ref, dinv_ref, b_ref, g_ref, be_ref, o_ref):
  h = jnp.concatenate([p_ref[0], p_ref[1]], axis=-1)
  h = h * dinv_ref[...] + b_ref[...]
  mu = jnp.mean(h, axis=-1, keepdims=True)
  dlt = h - mu
  var = jnp.mean(dlt * dlt, axis=-1, keepdims=True)
  o_ref[...] = jnp.maximum(
      dlt * lax.rsqrt(var + 1e-5) * g_ref[...] + be_ref[...], 0.0)


def kernel(x, edge_index, W, b, gamma, beta):
  n = x.shape[0]
  e = edge_index.shape[1]
  d = x.shape[1]
  dh = d // NC

  n_pad = ((n + 8 * NS - 1) // (8 * NS)) * (8 * NS)
  per_round = NS * CH
  n_chunks = -(-e // per_round)
  n_chunks += n_chunks % 2
  e_pad = n_chunks * per_round
  rpt = n_pad // NS

  src = edge_index[0].astype(jnp.int32)
  dst = edge_index[1].astype(jnp.int32)
  src_p = jnp.concatenate([src, jnp.zeros((e_pad - e,), jnp.int32)])
  dst_p = jnp.concatenate([dst, jnp.full((e_pad - e,), n, jnp.int32)])
  src3a = src_p.reshape(NS, n_chunks, CH)
  src3b = src3a + jnp.int32(n_pad)
  dst3 = dst_p.reshape(NS, n_chunks, CH)
  x_p = jnp.pad(x, ((0, n_pad - n), (0, 0)))

  hist = _degree_fn(n_pad, n_chunks // NC)(
      dst_p.reshape(NW, n_chunks // NC, CH),
      jnp.ones((CH, L), jnp.float32),
      jnp.zeros((rpt, L), jnp.float32))

  bn = n_pad // 8 if (n_pad // 8) % 8 == 0 else n_pad
  grid = n_pad // bn
  xwp2, dinv = pl.pallas_call(
      _mm_body,
      grid=(grid,),
      in_specs=[
          pl.BlockSpec((bn, d), lambda i: (i, 0)),
          pl.BlockSpec((d, d), lambda i: (0, 0)),
          pl.BlockSpec((NC, bn, L), lambda i: (0, i, 0)),
      ],
      out_specs=[
          pl.BlockSpec((NC, bn, dh), lambda i: (0, i, 0)),
          pl.BlockSpec((bn, 1), lambda i: (i, 0)),
      ],
      out_shape=[
          jax.ShapeDtypeStruct((NC, n_pad, dh), jnp.float32),
          jax.ShapeDtypeStruct((n_pad, 1), jnp.float32),
      ],
  )(x_p, W, hist)

  partials = _gather_scatter_fn(n_pad, n_chunks, dh)(
      src3a, src3b, dst3, xwp2.reshape(NC * n_pad, dh))

  out = pl.pallas_call(
      _ln_body,
      grid=(grid,),
      in_specs=[
          pl.BlockSpec((NC, bn, dh), lambda i: (0, i, 0)),
          pl.BlockSpec((bn, 1), lambda i: (i, 0)),
          pl.BlockSpec((1, d), lambda i: (0, 0)),
          pl.BlockSpec((1, d), lambda i: (0, 0)),
          pl.BlockSpec((1, d), lambda i: (0, 0)),
      ],
      out_specs=pl.BlockSpec((bn, d), lambda i: (i, 0)),
      out_shape=jax.ShapeDtypeStruct((n_pad, d), jnp.float32),
  )(partials, dinv, b.reshape(1, d), gamma.reshape(1, d), beta.reshape(1, d))

  return out[:n]

# --- scband reference (transcript-rebuilt; emitter-appended) ---
"""Pipeline reference for scband-gnnlayer-34385508171793 (READ-ONLY COPY).

The authoritative reference and input builder live on the scoring server;
editing this copy changes nothing except your own understanding.
"""

import jax, jax.numpy as jnp
import numpy as np

N_NODES = 10000
N_EDGES = 320000
D_IN = 128
D_OUT = 128


def setup_inputs(seed: int = 0) -> dict:
    key = jax.random.key(seed)
    kx, ke, kw = jax.random.split(key, 3)
    x = jax.random.normal(kx, (N_NODES, D_IN), dtype=jnp.float32)
    edge_index = jax.random.randint(ke, (2, N_EDGES), 0, N_NODES, dtype=jnp.int64)
    # GCNConv linear weight (glorot-ish scaling), bias added after aggregation (PyG semantics)
    W = jax.random.normal(kw, (D_IN, D_OUT), dtype=jnp.float32) * (1.0 / np.sqrt(D_IN))
    b = jnp.zeros((D_OUT,), dtype=jnp.float32)
    # LayerNorm params
    gamma = jnp.ones((D_OUT,), dtype=jnp.float32)
    beta = jnp.zeros((D_OUT,), dtype=jnp.float32)
    return {"x": x, "edge_index": edge_index, "W": W, "b": b, "gamma": gamma, "beta": beta}


def reference(x, edge_index, W, b, gamma, beta):
    N = x.shape[0]
    # --- GCNConv: add self-loops, symmetric normalization D^{-1/2} (A+I) D^{-1/2} ---
    loop = jnp.arange(N, dtype=edge_index.dtype)
    src = jnp.concatenate([edge_index[0], loop])
    dst = jnp.concatenate([edge_index[1], loop])
    ones = jnp.ones(src.shape[0], dtype=x.dtype)
    deg = jax.ops.segment_sum(ones, dst, num_segments=N)
    dinv = jnp.where(deg > 0, 1.0 / jnp.sqrt(deg), 0.0)
    norm = dinv[src] * dinv[dst]
    xw = x @ W                      # linear transform (no bias, PyG style)
    msg = norm[:, None] * xw[src]   # gather + scale
    agg = jax.ops.segment_sum(msg, dst, num_segments=N)  # scatter-add
    h = agg + b
    # --- LayerNorm ---
    mu = jnp.mean(h, axis=-1, keepdims=True)
    var = jnp.mean((h - mu) ** 2, axis=-1, keepdims=True)
    h = (h - mu) / jnp.sqrt(var + 1e-5) * gamma + beta
    # --- ReLU ---
    h = jnp.maximum(h, 0.0)
    # --- Dropout(0.1) in eval mode: identity ---
    return h

if __name__ == "__main__":
    import jax
    _d = setup_inputs()
    print(jax.jit(kernel)(*tuple(_d.values())))

</pallas_src>

<mosaic_0001>
#map = affine_map<(d0, d1) -> (0, 0, 0)>
#map1 = affine_map<(d0, d1) -> (0, 0)>
module attributes {stable_mosaic.version = 14 : i64} {
  func.func @deg_kernel(%arg0: i32, %arg1: i32, %arg2: memref<32x79x128xi32, #tpu.memory_space<hbm>>, %arg3: memref<128x16xf32, #tpu.memory_space<hbm>>, %arg4: memref<632x16xf32, #tpu.memory_space<hbm>>, %arg5: memref<2x10112x16xf32, #tpu.memory_space<hbm>>, %arg6: memref<79x128xi32, #tpu.memory_space<vmem>>, %arg7: memref<128x16xf32, #tpu.memory_space<vmem>>, %arg8: memref<10112x16xf32, #tpu.memory_space<vmem_shared>>) attributes {dimension_semantics = [#tpu.dimension_semantics<core_parallel>, #tpu.dimension_semantics<subcore_parallel>], iteration_bounds = array<i64: 2, 16>, scalar_prefetch = 0 : i64, scratch_operands = 3 : i64, tpu.core_type = #tpu.core_type<sc_vector_subcore>, window_params = [{transform_indices = #map}, {transform_indices = #map1}, {transform_indices = #map1}, {transform_indices = #map}]} {
    %mul3A = arith.constant 16 : i32
    %mul3A_0 = arith.muli %arg0, %mul3A : i32
    %add3A = arith.addi %mul3A_0, %arg1 : i32
    %mul3A_1 = arith.constant 632 : i32
    %mul3A_2 = arith.muli %arg1, %mul3A_1 : i32
    "tpu.region"() ({
      %run_scoped3A = tpu.sem_alloc : memref<!tpu.dma_semaphore, #tpu.memory_space<semaphore_mem>>
      %dma_start3A = arith.constant 0 : i32
      %dma_start3A_8 = arith.constant 0 : i32
      %dma_start3A_9 = tpu.memref_slice %arg2[%add3A, %dma_start3A, %dma_start3A_8] : memref<32x79x128xi32, #tpu.memory_space<hbm>> -> memref<1x79x128xi32, #tpu.memory_space<hbm>>
      %dma_start3A_10 = tpu.memref_squeeze %dma_start3A_9 : memref<1x79x128xi32, #tpu.memory_space<hbm>> -> memref<79x128xi32, #tpu.memory_space<hbm>>
      %dma_start3A_11 = arith.constant 0 : i32
      %dma_start3A_12 = arith.constant 0 : i32
      %dma_start3A_13 = tpu.memref_slice %arg2[%add3A, %dma_start3A_11, %dma_start3A_12] : memref<32x79x128xi32, #tpu.memory_space<hbm>> -> memref<1x79x128xi32, #tpu.memory_space<hbm>>
      %dma_start3A_14 = tpu.memref_squeeze %dma_start3A_13 : memref<1x79x128xi32, #tpu.memory_space<hbm>> -> memref<79x128xi32, #tpu.memory_space<hbm>>
      tpu.enqueue_dma source(%dma_start3A_14 : memref<79x128xi32, #tpu.memory_space<hbm>>) target(%arg6 : memref<79x128xi32, #tpu.memory_space<vmem>>) target_semaphore(%run_scoped3A : memref<!tpu.dma_semaphore, #tpu.memory_space<semaphore_mem>>)
      %dma_wait3A = arith.constant 0 : i32
      %dma_wait3A_15 = arith.constant 0 : i32
      %dma_wait3A_16 = tpu.memref_slice %arg2[%add3A, %dma_wait3A, %dma_wait3A_15] : memref<32x79x128xi32, #tpu.memory_space<hbm>> -> memref<1x79x128xi32, #tpu.memory_space<hbm>>
      %dma_wait3A_17 = tpu.memref_squeeze %dma_wait3A_16 : memref<1x79x128xi32, #tpu.memory_space<hbm>> -> memref<79x128xi32, #tpu.memory_space<hbm>>
      %dma_wait3A_18 = arith.constant 0 : i32
      %dma_wait3A_19 = arith.constant 0 : i32
      %dma_wait3A_20 = tpu.memref_slice %arg2[%add3A, %dma_wait3A_18, %dma_wait3A_19] : memref<32x79x128xi32, #tpu.memory_space<hbm>> -> memref<1x79x128xi32, #tpu.memory_space<hbm>>
      %dma_wait3A_21 = tpu.memref_squeeze %dma_wait3A_20 : memref<1x79x128xi32, #tpu.memory_space<hbm>> -> memref<79x128xi32, #tpu.memory_space<hbm>>
      tpu.wait_dma2 semaphore(%run_scoped3A : memref<!tpu.dma_semaphore, #tpu.memory_space<semaphore_mem>>) src(%dma_wait3A_21 : memref<79x128xi32, #tpu.memory_space<hbm>>) dst(%arg6 : memref<79x128xi32, #tpu.memory_space<vmem>>)
      tpu.yield
    }) : () -> ()
    "tpu.region"() ({
      %run_scoped3A = tpu.sem_alloc : memref<!tpu.dma_semaphore, #tpu.memory_space<semaphore_mem>>
      tpu.enqueue_dma source(%arg3 : memref<128x16xf32, #tpu.memory_space<hbm>>) target(%arg7 : memref<128x16xf32, #tpu.memory_space<vmem>>) target_semaphore(%run_scoped3A : memref<!tpu.dma_semaphore, #tpu.memory_space<semaphore_mem>>)
      tpu.wait_dma2 semaphore(%run_scoped3A : memref<!tpu.dma_semaphore, #tpu.memory_space<semaphore_mem>>) src(%arg3 : memref<128x16xf32, #tpu.memory_space<hbm>>) dst(%arg7 : memref<128x16xf32, #tpu.memory_space<vmem>>)
      tpu.yield
    }) : () -> ()
    "tpu.region"() ({
      %run_scoped3A = tpu.sem_alloc : memref<!tpu.dma_semaphore, #tpu.memory_space<semaphore_mem>>
      %dma_start3A = arith.constant 0 : i32
      %dma_start3A_8 = tpu.memref_slice %arg8[%mul3A_2, %dma_start3A] : memref<10112x16xf32, #tpu.memory_space<vmem_shared>> -> memref<632x16xf32, #tpu.memory_space<vmem_shared>>
      tpu.enqueue_dma source(%arg4 : memref<632x16xf32, #tpu.memory_space<hbm>>) target(%dma_start3A_8 : memref<632x16xf32, #tpu.memory_space<vmem_shared>>) target_semaphore(%run_scoped3A : memref<!tpu.dma_semaphore, #tpu.memory_space<semaphore_mem>>)
      %dma_wait3A = arith.constant 0 : i32
      %dma_wait3A_9 = tpu.memref_slice %arg8[%mul3A_2, %dma_wait3A] : memref<10112x16xf32, #tpu.memory_space<vmem_shared>> -> memref<632x16xf32, #tpu.memory_space<vmem_shared>>
      tpu.wait_dma2 semaphore(%run_scoped3A : memref<!tpu.dma_semaphore, #tpu.memory_space<semaphore_mem>>) src(%arg4 : memref<632x16xf32, #tpu.memory_space<hbm>>) dst(%dma_wait3A_9 : memref<632x16xf32, #tpu.memory_space<vmem_shared>>)
      tpu.yield
    }) : () -> ()
    %barrier3A = arith.constant 0 : index
    tpu.barrier barrier_id(%barrier3A)
    %scan3A = arith.constant 0 : i32
    %scan3A_3 = arith.constant 79 : i32
    %scan3A_4 = arith.addi %scan3A, %scan3A_3 : i32
    %scan3A_5 = arith.constant 1 : i32
    scf.for %scan3A_8 = %scan3A to %scan3A_4 step %scan3A_5  : i32 {
      %mul3A_9 = arith.constant 1 : i32
      %mul3A_10 = arith.muli %scan3A_8, %mul3A_9 : i32
      %add3A_11 = arith.constant 0 : i32
      %add3A_12 = arith.addi %add3A_11, %mul3A_10 : i32
      "tpu.region"() ({
        %run_scoped3A = tpu.sem_alloc : memref<!tpu.dma_semaphore, #tpu.memory_space<semaphore_mem>>
        %dma_start3A = arith.constant 0 : i32
        %dma_start3A_13 = tpu.memref_slice %arg6[%add3A_12, %dma_start3A] : memref<79x128xi32, #tpu.memory_space<vmem>> -> memref<1x128xi32, #tpu.memory_space<vmem>>
        %dma_start3A_14 = tpu.memref_squeeze %dma_start3A_13 : memref<1x128xi32, #tpu.memory_space<vmem>> -> memref<128xi32, #tpu.memory_space<vmem>>
        %dma_start3A_15 = arith.constant 0 : i32
        %dma_start3A_16 = arith.constant 0 : i32
        %dma_start3A_17 = tpu.memref_slice %arg8[%dma_start3A_15, %dma_start3A_16] : memref<10112x16xf32, #tpu.memory_space<vmem_shared>> -> memref<10112x16xf32, #tpu.memory_space<vmem_shared>>
        tpu.enqueue_indirect_dma source(%arg7 : memref<128x16xf32, #tpu.memory_space<vmem>>) target(%dma_start3A_17 : memref<10112x16xf32, #tpu.memory_space<vmem_shared>>) offsets(%dma_start3A_14 : memref<128xi32, #tpu.memory_space<vmem>>) semaphore(%run_scoped3A : memref<!tpu.dma_semaphore, #tpu.memory_space<semaphore_mem>>) {add = true}
        %dma_wait3A = arith.constant 0 : i32
        %dma_wait3A_18 = tpu.memref_slice %arg6[%add3A_12, %dma_wait3A] : memref<79x128xi32, #tpu.memory_space<vmem>> -> memref<1x128xi32, #tpu.memory_space<vmem>>
        %dma_wait3A_19 = tpu.memref_squeeze %dma_wait3A_18 : memref<1x128xi32, #tpu.memory_space<vmem>> -> memref<128xi32, #tpu.memory_space<vmem>>
        %dma_wait3A_20 = arith.constant 0 : i32
        %dma_wait3A_21 = arith.constant 0 : i32
        %dma_wait3A_22 = tpu.memref_slice %arg8[%dma_wait3A_20, %dma_wait3A_21] : memref<10112x16xf32, #tpu.memory_space<vmem_shared>> -> memref<10112x16xf32, #tpu.memory_space<vmem_shared>>
        tpu.wait_indirect_dma semaphore(%run_scoped3A : memref<!tpu.dma_semaphore, #tpu.memory_space<semaphore_mem>>) src(%arg7 : memref<128x16xf32, #tpu.memory_space<vmem>>) dst(%dma_wait3A_22 : memref<10112x16xf32, #tpu.memory_space<vmem_shared>>)
        tpu.yield
      }) : () -> ()
    }
    %scan3A_6 = arith.constant 79 : i32
    %barrier3A_7 = arith.constant 0 : index
    tpu.barrier barrier_id(%barrier3A_7)
    "tpu.region"() ({
      %run_scoped3A = tpu.sem_alloc : memref<!tpu.dma_semaphore, #tpu.memory_space<semaphore_mem>>
      %dma_start3A = arith.constant 0 : i32
      %dma_start3A_8 = tpu.memref_slice %arg5[%arg0, %mul3A_2, %dma_start3A] : memref<2x10112x16xf32, #tpu.memory_space<hbm>> -> memref<1x632x16xf32, #tpu.memory_space<hbm>>
      %dma_start3A_9 = tpu.memref_squeeze %dma_start3A_8 : memref<1x632x16xf32, #tpu.memory_space<hbm>> -> memref<632x16xf32, #tpu.memory_space<hbm>>
      %dma_start3A_10 = arith.constant 0 : i32
      %dma_start3A_11 = tpu.memref_slice %arg8[%mul3A_2, %dma_start3A_10] : memref<10112x16xf32, #tpu.memory_space<vmem_shared>> -> memref<632x16xf32, #tpu.memory_space<vmem_shared>>
      tpu.enqueue_dma source(%dma_start3A_11 : memref<632x16xf32, #tpu.memory_space<vmem_shared>>) target(%dma_start3A_9 : memref<632x16xf32, #tpu.memory_space<hbm>>) target_semaphore(%run_scoped3A : memref<!tpu.dma_semaphore, #tpu.memory_space<semaphore_mem>>)
      %dma_wait3A = arith.constant 0 : i32
      %dma_wait3A_12 = tpu.memref_slice %arg5[%arg0, %mul3A_2, %dma_wait3A] : memref<2x10112x16xf32, #tpu.memory_space<hbm>> -> memref<1x632x16xf32, #tpu.memory_space<hbm>>
      %dma_wait3A_13 = tpu.memref_squeeze %dma_wait3A_12 : memref<1x632x16xf32, #tpu.memory_space<hbm>> -> memref<632x16xf32, #tpu.memory_space<hbm>>
      %dma_wait3A_14 = arith.constant 0 : i32
      %dma_wait3A_15 = tpu.memref_slice %arg8[%mul3A_2, %dma_wait3A_14] : memref<10112x16xf32, #tpu.memory_space<vmem_shared>> -> memref<632x16xf32, #tpu.memory_space<vmem_shared>>
      tpu.wait_dma2 semaphore(%run_scoped3A : memref<!tpu.dma_semaphore, #tpu.memory_space<semaphore_mem>>) src(%dma_wait3A_15 : memref<632x16xf32, #tpu.memory_space<vmem_shared>>) dst(%dma_wait3A_13 : memref<632x16xf32, #tpu.memory_space<hbm>>)
      tpu.yield
    }) : () -> ()
    return
  }
}

#map = affine_map<(d0, d1) -> (0, 0, 0)>
#map1 = affine_map<(d0, d1) -> (0, 0)>
module attributes {stable_mosaic.version = 14 : i64} {
  func.func @gs_kernel(%arg0: i32, %arg1: i32, %arg2: memref<16x158x128xi32, #tpu.memory_space<hbm>>, %arg3: memref<16x158x128xi32, #tpu.memory_space<hbm>>, %arg4: memref<16x158x128xi32, #tpu.memory_space<hbm>>, %arg5: memref<20224x64xf32, #tpu.memory_space<hbm>>, %arg6: memref<2x10112x64xf32, #tpu.memory_space<hbm>>, %arg7: memref<158x128xi32, #tpu.memory_space<vmem>>, %arg8: memref<158x128xi32, #tpu.memory_space<vmem>>, %arg9: memref<128x64xf32, #tpu.memory_space<vmem>>, %arg10: memref<128x64xf32, #tpu.memory_space<vmem>>, %arg11: memref<!tpu.dma_semaphore, #tpu.memory_space<semaphore_mem>>, %arg12: memref<!tpu.dma_semaphore, #tpu.memory_space<semaphore_mem>>, %arg13: memref<10112x64xf32, #tpu.memory_space<vmem_shared>>) attributes {dimension_semantics = [#tpu.dimension_semantics<core_parallel>, #tpu.dimension_semantics<subcore_parallel>], iteration_bounds = array<i64: 2, 16>, scalar_prefetch = 0 : i64, scratch_operands = 7 : i64, tpu.core_type = #tpu.core_type<sc_vector_subcore>, window_params = [{transform_indices = #map}, {transform_indices = #map}, {transform_indices = #map}, {transform_indices = #map1}, {transform_indices = #map}]} {
    %mul3A = arith.constant 632 : i32
    %mul3A_0 = arith.muli %arg1, %mul3A : i32
    %eq3A = arith.constant 0 : i32
    %eq3A_1 = arith.cmpi eq, %arg0, %eq3A : i32
    %convert_element_type3A = arith.extui %eq3A_1 : i1 to i32
    %cond3A = arith.constant 0 : i32
    %cond3A_2 = arith.cmpi ne, %convert_element_type3A, %cond3A : i32
    scf.if %cond3A_2 {
      "tpu.region"() ({
        %run_scoped3A = tpu.sem_alloc : memref<!tpu.dma_semaphore, #tpu.memory_space<semaphore_mem>>
        %dma_start3A_22 = arith.constant 0 : i32
        %dma_start3A_23 = arith.constant 0 : i32
        %dma_start3A_24 = tpu.memref_slice %arg2[%arg1, %dma_start3A_22, %dma_start3A_23] : memref<16x158x128xi32, #tpu.memory_space<hbm>> -> memref<1x158x128xi32, #tpu.memory_space<hbm>>
        %dma_start3A_25 = tpu.memref_squeeze %dma_start3A_24 : memref<1x158x128xi32, #tpu.memory_space<hbm>> -> memref<158x128xi32, #tpu.memory_space<hbm>>
        %dma_start3A_26 = arith.constant 0 : i32
        %dma_start3A_27 = arith.constant 0 : i32
        %dma_start3A_28 = tpu.memref_slice %arg2[%arg1, %dma_start3A_26, %dma_start3A_27] : memref<16x158x128xi32, #tpu.memory_space<hbm>> -> memref<1x158x128xi32, #tpu.memory_space<hbm>>
        %dma_start3A_29 = tpu.memref_squeeze %dma_start3A_28 : memref<1x158x128xi32, #tpu.memory_space<hbm>> -> memref<158x128xi32, #tpu.memory_space<hbm>>
        tpu.enqueue_dma source(%dma_start3A_29 : memref<158x128xi32, #tpu.memory_space<hbm>>) target(%arg7 : memref<158x128xi32, #tpu.memory_space<vmem>>) target_semaphore(%run_scoped3A : memref<!tpu.dma_semaphore, #tpu.memory_space<semaphore_mem>>)
        %dma_wait3A = arith.constant 0 : i32
        %dma_wait3A_30 = arith.constant 0 : i32
        %dma_wait3A_31 = tpu.memref_slice %arg2[%arg1, %dma_wait3A, %dma_wait3A_30] : memref<16x158x128xi32, #tpu.memory_space<hbm>> -> memref<1x158x128xi32, #tpu.memory_space<hbm>>
        %dma_wait3A_32 = tpu.memref_squeeze %dma_wait3A_31 : memref<1x158x128xi32, #tpu.memory_space<hbm>> -> memref<158x128xi32, #tpu.memory_space<hbm>>
        %dma_wait3A_33 = arith.constant 0 : i32
        %dma_wait3A_34 = arith.constant 0 : i32
        %dma_wait3A_35 = tpu.memref_slice %arg2[%arg1, %dma_wait3A_33, %dma_wait3A_34] : memref<16x158x128xi32, #tpu.memory_space<hbm>> -> memref<1x158x128xi32, #tpu.memory_space<hbm>>
        %dma_wait3A_36 = tpu.memref_squeeze %dma_wait3A_35 : memref<1x158x128xi32, #tpu.memory_space<hbm>> -> memref<158x128xi32, #tpu.memory_space<hbm>>
        tpu.wait_dma2 semaphore(%run_scoped3A : memref<!tpu.dma_semaphore, #tpu.memory_space<semaphore_mem>>) src(%dma_wait3A_36 : memref<158x128xi32, #tpu.memory_space<hbm>>) dst(%arg7 : memref<158x128xi32, #tpu.memory_space<vmem>>)
        tpu.yield
      }) : () -> ()
    } else {
    }
    %ne3A = arith.constant 0 : i32
    %ne3A_3 = arith.cmpi ne, %arg0, %ne3A : i32
    %convert_element_type3A_4 = arith.extui %ne3A_3 : i1 to i32
    %cond3A_5 = arith.constant 0 : i32
    %cond3A_6 = arith.cmpi ne, %convert_element_type3A_4, %cond3A_5 : i32
    scf.if %cond3A_6 {
      "tpu.region"() ({
        %run_scoped3A = tpu.sem_alloc : memref<!tpu.dma_semaphore, #tpu.memory_space<semaphore_mem>>
        %dma_start3A_22 = arith.constant 0 : i32
        %dma_start3A_23 = arith.constant 0 : i32
        %dma_start3A_24 = tpu.memref_slice %arg3[%arg1, %dma_start3A_22, %dma_start3A_23] : memref<16x158x128xi32, #tpu.memory_space<hbm>> -> memref<1x158x128xi32, #tpu.memory_space<hbm>>
        %dma_start3A_25 = tpu.memref_squeeze %dma_start3A_24 : memref<1x158x128xi32, #tpu.memory_space<hbm>> -> memref<158x128xi32, #tpu.memory_space<hbm>>
        %dma_start3A_26 = arith.constant 0 : i32
        %dma_start3A_27 = arith.constant 0 : i32
        %dma_start3A_28 = tpu.memref_slice %arg3[%arg1, %dma_start3A_26, %dma_start3A_27] : memref<16x158x128xi32, #tpu.memory_space<hbm>> -> memref<1x158x128xi32, #tpu.memory_space<hbm>>
        %dma_start3A_29 = tpu.memref_squeeze %dma_start3A_28 : memref<1x158x128xi32, #tpu.memory_space<hbm>> -> memref<158x128xi32, #tpu.memory_space<hbm>>
        tpu.enqueue_dma source(%dma_start3A_29 : memref<158x128xi32, #tpu.memory_space<hbm>>) target(%arg7 : memref<158x128xi32, #tpu.memory_space<vmem>>) target_semaphore(%run_scoped3A : memref<!tpu.dma_semaphore, #tpu.memory_space<semaphore_mem>>)
        %dma_wait3A = arith.constant 0 : i32
        %dma_wait3A_30 = arith.constant 0 : i32
        %dma_wait3A_31 = tpu.memref_slice %arg3[%arg1, %dma_wait3A, %dma_wait3A_30] : memref<16x158x128xi32, #tpu.memory_space<hbm>> -> memref<1x158x128xi32, #tpu.memory_space<hbm>>
        %dma_wait3A_32 = tpu.memref_squeeze %dma_wait3A_31 : memref<1x158x128xi32, #tpu.memory_space<hbm>> -> memref<158x128xi32, #tpu.memory_space<hbm>>
        %dma_wait3A_33 = arith.constant 0 : i32
        %dma_wait3A_34 = arith.constant 0 : i32
        %dma_wait3A_35 = tpu.memref_slice %arg3[%arg1, %dma_wait3A_33, %dma_wait3A_34] : memref<16x158x128xi32, #tpu.memory_space<hbm>> -> memref<1x158x128xi32, #tpu.memory_space<hbm>>
        %dma_wait3A_36 = tpu.memref_squeeze %dma_wait3A_35 : memref<1x158x128xi32, #tpu.memory_space<hbm>> -> memref<158x128xi32, #tpu.memory_space<hbm>>
        tpu.wait_dma2 semaphore(%run_scoped3A : memref<!tpu.dma_semaphore, #tpu.memory_space<semaphore_mem>>) src(%dma_wait3A_36 : memref<158x128xi32, #tpu.memory_space<hbm>>) dst(%arg7 : memref<158x128xi32, #tpu.memory_space<vmem>>)
        tpu.yield
      }) : () -> ()
    } else {
    }
    "tpu.region"() ({
      %run_scoped3A = tpu.sem_alloc : memref<!tpu.dma_semaphore, #tpu.memory_space<semaphore_mem>>
      %dma_start3A_22 = arith.constant 0 : i32
      %dma_start3A_23 = arith.constant 0 : i32
      %dma_start3A_24 = tpu.memref_slice %arg4[%arg1, %dma_start3A_22, %dma_start3A_23] : memref<16x158x128xi32, #tpu.memory_space<hbm>> -> memref<1x158x128xi32, #tpu.memory_space<hbm>>
      %dma_start3A_25 = tpu.memref_squeeze %dma_start3A_24 : memref<1x158x128xi32, #tpu.memory_space<hbm>> -> memref<158x128xi32, #tpu.memory_space<hbm>>
      %dma_start3A_26 = arith.constant 0 : i32
      %dma_start3A_27 = arith.constant 0 : i32
      %dma_start3A_28 = tpu.memref_slice %arg4[%arg1, %dma_start3A_26, %dma_start3A_27] : memref<16x158x128xi32, #tpu.memory_space<hbm>> -> memref<1x158x128xi32, #tpu.memory_space<hbm>>
      %dma_start3A_29 = tpu.memref_squeeze %dma_start3A_28 : memref<1x158x128xi32, #tpu.memory_space<hbm>> -> memref<158x128xi32, #tpu.memory_space<hbm>>
      tpu.enqueue_dma source(%dma_start3A_29 : memref<158x128xi32, #tpu.memory_space<hbm>>) target(%arg8 : memref<158x128xi32, #tpu.memory_space<vmem>>) target_semaphore(%run_scoped3A : memref<!tpu.dma_semaphore, #tpu.memory_space<semaphore_mem>>)
      %dma_wait3A = arith.constant 0 : i32
      %dma_wait3A_30 = arith.constant 0 : i32
      %dma_wait3A_31 = tpu.memref_slice %arg4[%arg1, %dma_wait3A, %dma_wait3A_30] : memref<16x158x128xi32, #tpu.memory_space<hbm>> -> memref<1x158x128xi32, #tpu.memory_space<hbm>>
      %dma_wait3A_32 = tpu.memref_squeeze %dma_wait3A_31 : memref<1x158x128xi32, #tpu.memory_space<hbm>> -> memref<158x128xi32, #tpu.memory_space<hbm>>
      %dma_wait3A_33 = arith.constant 0 : i32
      %dma_wait3A_34 = arith.constant 0 : i32
      %dma_wait3A_35 = tpu.memref_slice %arg4[%arg1, %dma_wait3A_33, %dma_wait3A_34] : memref<16x158x128xi32, #tpu.memory_space<hbm>> -> memref<1x158x128xi32, #tpu.memory_space<hbm>>
      %dma_wait3A_36 = tpu.memref_squeeze %dma_wait3A_35 : memref<1x158x128xi32, #tpu.memory_space<hbm>> -> memref<158x128xi32, #tpu.memory_space<hbm>>
      tpu.wait_dma2 semaphore(%run_scoped3A : memref<!tpu.dma_semaphore, #tpu.memory_space<semaphore_mem>>) src(%dma_wait3A_36 : memref<158x128xi32, #tpu.memory_space<hbm>>) dst(%arg8 : memref<158x128xi32, #tpu.memory_space<vmem>>)
      tpu.yield
    }) : () -> ()
    %mul3A_7 = arith.constant 10112 : i32
    %mul3A_8 = arith.muli %arg0, %mul3A_7 : i32
    %mul3A_9 = arith.constant 632 : i32
    %mul3A_10 = arith.muli %arg1, %mul3A_9 : i32
    %add3A = arith.addi %mul3A_8, %mul3A_10 : i32
    "tpu.region"() ({
      %run_scoped3A = tpu.sem_alloc : memref<!tpu.dma_semaphore, #tpu.memory_space<semaphore_mem>>
      %dma_start3A_22 = arith.constant 0 : i32
      %dma_start3A_23 = tpu.memref_slice %arg13[%mul3A_0, %dma_start3A_22] : memref<10112x64xf32, #tpu.memory_space<vmem_shared>> -> memref<632x64xf32, #tpu.memory_space<vmem_shared>>
      %dma_start3A_24 = arith.constant 0 : i32
      %dma_start3A_25 = tpu.memref_slice %arg5[%add3A, %dma_start3A_24] : memref<20224x64xf32, #tpu.memory_space<hbm>> -> memref<632x64xf32, #tpu.memory_space<hbm>>
      tpu.enqueue_dma source(%dma_start3A_25 : memref<632x64xf32, #tpu.memory_space<hbm>>) target(%dma_start3A_23 : memref<632x64xf32, #tpu.memory_space<vmem_shared>>) target_semaphore(%run_scoped3A : memref<!tpu.dma_semaphore, #tpu.memory_space<semaphore_mem>>)
      %dma_wait3A = arith.constant 0 : i32
      %dma_wait3A_26 = tpu.memref_slice %arg13[%mul3A_0, %dma_wait3A] : memref<10112x64xf32, #tpu.memory_space<vmem_shared>> -> memref<632x64xf32, #tpu.memory_space<vmem_shared>>
      %dma_wait3A_27 = arith.constant 0 : i32
      %dma_wait3A_28 = tpu.memref_slice %arg5[%add3A, %dma_wait3A_27] : memref<20224x64xf32, #tpu.memory_space<hbm>> -> memref<632x64xf32, #tpu.memory_space<hbm>>
      tpu.wait_dma2 semaphore(%run_scoped3A : memref<!tpu.dma_semaphore, #tpu.memory_space<semaphore_mem>>) src(%dma_wait3A_28 : memref<632x64xf32, #tpu.memory_space<hbm>>) dst(%dma_wait3A_26 : memref<632x64xf32, #tpu.memory_space<vmem_shared>>)
      tpu.yield
    }) : () -> ()
    %barrier3A = arith.constant 0 : index
    tpu.barrier barrier_id(%barrier3A)
    %dma_start3A = arith.constant 0 : i32
    %dma_start3A_11 = arith.constant 0 : i32
    %dma_start3A_12 = tpu.memref_slice %arg7[%dma_start3A, %dma_start3A_11] : memref<158x128xi32, #tpu.memory_space<vmem>> -> memref<1x128xi32, #tpu.memory_space<vmem>>
    %dma_start3A_13 = tpu.memref_squeeze %dma_start3A_12 : memref<1x128xi32, #tpu.memory_space<vmem>> -> memref<128xi32, #tpu.memory_space<vmem>>
    %dma_start3A_14 = arith.constant 0 : i32
    %dma_start3A_15 = arith.constant 0 : i32
    %dma_start3A_16 = tpu.memref_slice %arg5[%dma_start3A_14, %dma_start3A_15] : memref<20224x64xf32, #tpu.memory_space<hbm>> -> memref<20224x64xf32, #tpu.memory_space<hbm>>
    tpu.enqueue_indirect_dma source(%dma_start3A_16 : memref<20224x64xf32, #tpu.memory_space<hbm>>) target(%arg9 : memref<128x64xf32, #tpu.memory_space<vmem>>) offsets(%dma_start3A_13 : memref<128xi32, #tpu.memory_space<vmem>>) semaphore(%arg11 : memref<!tpu.dma_semaphore, #tpu.memory_space<semaphore_mem>>)
    %scan3A = arith.constant 0 : i32
    %scan3A_17 = arith.constant 79 : i32
    %scan3A_18 = arith.addi %scan3A, %scan3A_17 : i32
    %scan3A_19 = arith.constant 1 : i32
    scf.for %scan3A_22 = %scan3A to %scan3A_18 step %scan3A_19  : i32 {
      %mul3A_23 = arith.constant 1 : i32
      %mul3A_24 = arith.muli %scan3A_22, %mul3A_23 : i32
      %add3A_25 = arith.constant 0 : i32
      %add3A_26 = arith.addi %add3A_25, %mul3A_24 : i32
      %mul3A_27 = arith.constant 2 : i32
      %mul3A_28 = arith.muli %mul3A_27, %add3A_26 : i32
      %dma_wait3A = arith.constant 0 : i32
      %dma_wait3A_29 = tpu.memref_slice %arg7[%mul3A_28, %dma_wait3A] : memref<158x128xi32, #tpu.memory_space<vmem>> -> memref<1x128xi32, #tpu.memory_space<vmem>>
      %dma_wait3A_30 = tpu.memref_squeeze %dma_wait3A_29 : memref<1x128xi32, #tpu.memory_space<vmem>> -> memref<128xi32, #tpu.memory_space<vmem>>
      %dma_wait3A_31 = arith.constant 0 : i32
      %dma_wait3A_32 = arith.constant 0 : i32
      %dma_wait3A_33 = tpu.memref_slice %arg5[%dma_wait3A_31, %dma_wait3A_32] : memref<20224x64xf32, #tpu.memory_space<hbm>> -> memref<20224x64xf32, #tpu.memory_space<hbm>>
      tpu.wait_indirect_dma semaphore(%arg11 : memref<!tpu.dma_semaphore, #tpu.memory_space<semaphore_mem>>) src(%dma_wait3A_33 : memref<20224x64xf32, #tpu.memory_space<hbm>>) dst(%arg9 : memref<128x64xf32, #tpu.memory_space<vmem>>)
      %add3A_34 = arith.constant 1 : i32
      %add3A_35 = arith.addi %mul3A_28, %add3A_34 : i32
      %dma_start3A_36 = arith.constant 0 : i32
      %dma_start3A_37 = tpu.memref_slice %arg7[%add3A_35, %dma_start3A_36] : memref<158x128xi32, #tpu.memory_space<vmem>> -> memref<1x128xi32, #tpu.memory_space<vmem>>
      %dma_start3A_38 = tpu.memref_squeeze %dma_start3A_37 : memref<1x128xi32, #tpu.memory_space<vmem>> -> memref<128xi32, #tpu.memory_space<vmem>>
      %dma_start3A_39 = arith.constant 0 : i32
      %dma_start3A_40 = arith.constant 0 : i32
      %dma_start3A_41 = tpu.memref_slice %arg5[%dma_start3A_39, %dma_start3A_40] : memref<20224x64xf32, #tpu.memory_space<hbm>> -> memref<20224x64xf32, #tpu.memory_space<hbm>>
      tpu.enqueue_indirect_dma source(%dma_start3A_41 : memref<20224x64xf32, #tpu.memory_space<hbm>>) target(%arg10 : memref<128x64xf32, #tpu.memory_space<vmem>>) offsets(%dma_start3A_38 : memref<128xi32, #tpu.memory_space<vmem>>) semaphore(%arg12 : memref<!tpu.dma_semaphore, #tpu.memory_space<semaphore_mem>>)
      "tpu.region"() ({
        %run_scoped3A = tpu.sem_alloc : memref<!tpu.dma_semaphore, #tpu.memory_space<semaphore_mem>>
        %dma_start3A_56 = arith.constant 0 : i32
        %dma_start3A_57 = tpu.memref_slice %arg8[%mul3A_28, %dma_start3A_56] : memref<158x128xi32, #tpu.memory_space<vmem>> -> memref<1x128xi32, #tpu.memory_space<vmem>>
        %dma_start3A_58 = tpu.memref_squeeze %dma_start3A_57 : memref<1x128xi32, #tpu.memory_space<vmem>> -> memref<128xi32, #tpu.memory_space<vmem>>
        %dma_start3A_59 = arith.constant 0 : i32
        %dma_start3A_60 = arith.constant 0 : i32
        %dma_start3A_61 = tpu.memref_slice %arg13[%dma_start3A_59, %dma_start3A_60] : memref<10112x64xf32, #tpu.memory_space<vmem_shared>> -> memref<10112x64xf32, #tpu.memory_space<vmem_shared>>
        tpu.enqueue_indirect_dma source(%arg9 : memref<128x64xf32, #tpu.memory_space<vmem>>) target(%dma_start3A_61 : memref<10112x64xf32, #tpu.memory_space<vmem_shared>>) offsets(%dma_start3A_58 : memref<128xi32, #tpu.memory_space<vmem>>) semaphore(%run_scoped3A : memref<!tpu.dma_semaphore, #tpu.memory_space<semaphore_mem>>) {add = true}
        %dma_wait3A_62 = arith.constant 0 : i32
        %dma_wait3A_63 = tpu.memref_slice %arg8[%mul3A_28, %dma_wait3A_62] : memref<158x128xi32, #tpu.memory_space<vmem>> -> memref<1x128xi32, #tpu.memory_space<vmem>>
        %dma_wait3A_64 = tpu.memref_squeeze %dma_wait3A_63 : memref<1x128xi32, #tpu.memory_space<vmem>> -> memref<128xi32, #tpu.memory_space<vmem>>
        %dma_wait3A_65 = arith.constant 0 : i32
        %dma_wait3A_66 = arith.constant 0 : i32
        %dma_wait3A_67 = tpu.memref_slice %arg13[%dma_wait3A_65, %dma_wait3A_66] : memref<10112x64xf32, #tpu.memory_space<vmem_shared>> -> memref<10112x64xf32, #tpu.memory_space<vmem_shared>>
        tpu.wait_indirect_dma semaphore(%run_scoped3A : memref<!tpu.dma_semaphore, #tpu.memory_space<semaphore_mem>>) src(%arg9 : memref<128x64xf32, #tpu.memory_space<vmem>>) dst(%dma_wait3A_67 : memref<10112x64xf32, #tpu.memory_space<vmem_shared>>)
        tpu.yield
      }) : () -> ()
      %add3A_42 = arith.constant 1 : i32
      %add3A_43 = arith.addi %mul3A_28, %add3A_42 : i32
      %dma_wait3A_44 = arith.constant 0 : i32
      %dma_wait3A_45 = tpu.memref_slice %arg7[%add3A_43, %dma_wait3A_44] : memref<158x128xi32, #tpu.memory_space<vmem>> -> memref<1x128xi32, #tpu.memory_space<vmem>>
      %dma_wait3A_46 = tpu.memref_squeeze %dma_wait3A_45 : memref<1x128xi32, #tpu.memory_space<vmem>> -> memref<128xi32, #tpu.memory_space<vmem>>
      %dma_wait3A_47 = arith.constant 0 : i32
      %dma_wait3A_48 = arith.constant 0 : i32
      %dma_wait3A_49 = tpu.memref_slice %arg5[%dma_wait3A_47, %dma_wait3A_48] : memref<20224x64xf32, #tpu.memory_space<hbm>> -> memref<20224x64xf32, #tpu.memory_space<hbm>>
      tpu.wait_indirect_dma semaphore(%arg12 : memref<!tpu.dma_semaphore, #tpu.memory_space<semaphore_mem>>) src(%dma_wait3A_49 : memref<20224x64xf32, #tpu.memory_space<hbm>>) dst(%arg10 : memref<128x64xf32, #tpu.memory_space<vmem>>)
      %lt3A = arith.constant 78 : i32
      %lt3A_50 = arith.cmpi slt, %add3A_26, %lt3A : i32
      %convert_element_type3A_51 = arith.extui %lt3A_50 : i1 to i32
      %cond3A_52 = arith.constant 0 : i32
      %cond3A_53 = arith.cmpi ne, %convert_element_type3A_51, %cond3A_52 : i32
      scf.if %cond3A_53 {
        %add3A_56 = arith.constant 2 : i32
        %add3A_57 = arith.addi %mul3A_28, %add3A_56 : i32
        %dma_start3A_58 = arith.constant 0 : i32
        %dma_start3A_59 = tpu.memref_slice %arg7[%add3A_57, %dma_start3A_58] : memref<158x128xi32, #tpu.memory_space<vmem>> -> memref<1x128xi32, #tpu.memory_space<vmem>>
        %dma_start3A_60 = tpu.memref_squeeze %dma_start3A_59 : memref<1x128xi32, #tpu.memory_space<vmem>> -> memref<128xi32, #tpu.memory_space<vmem>>
        %dma_start3A_61 = arith.constant 0 : i32
        %dma_start3A_62 = arith.constant 0 : i32
        %dma_start3A_63 = tpu.memref_slice %arg5[%dma_start3A_61, %dma_start3A_62] : memref<20224x64xf32, #tpu.memory_space<hbm>> -> memref<20224x64xf32, #tpu.memory_space<hbm>>
        tpu.enqueue_indirect_dma source(%dma_start3A_63 : memref<20224x64xf32, #tpu.memory_space<hbm>>) target(%arg9 : memref<128x64xf32, #tpu.memory_space<vmem>>) offsets(%dma_start3A_60 : memref<128xi32, #tpu.memory_space<vmem>>) semaphore(%arg11 : memref<!tpu.dma_semaphore, #tpu.memory_space<semaphore_mem>>)
      } else {
      }
      %add3A_54 = arith.constant 1 : i32
      %add3A_55 = arith.addi %mul3A_28, %add3A_54 : i32
      "tpu.region"() ({
        %run_scoped3A = tpu.sem_alloc : memref<!tpu.dma_semaphore, #tpu.memory_space<semaphore_mem>>
        %dma_start3A_56 = arith.constant 0 : i32
        %dma_start3A_57 = tpu.memref_slice %arg8[%add3A_55, %dma_start3A_56] : memref<158x128xi32, #tpu.memory_space<vmem>> -> memref<1x128xi32, #tpu.memory_space<vmem>>
        %dma_start3A_58 = tpu.memref_squeeze %dma_start3A_57 : memref<1x128xi32, #tpu.memory_space<vmem>> -> memref<128xi32, #tpu.memory_space<vmem>>
        %dma_start3A_59 = arith.constant 0 : i32
        %dma_start3A_60 = arith.constant 0 : i32
        %dma_start3A_61 = tpu.memref_slice %arg13[%dma_start3A_59, %dma_start3A_60] : memref<10112x64xf32, #tpu.memory_space<vmem_shared>> -> memref<10112x64xf32, #tpu.memory_space<vmem_shared>>
        tpu.enqueue_indirect_dma source(%arg10 : memref<128x64xf32, #tpu.memory_space<vmem>>) target(%dma_start3A_61 : memref<10112x64xf32, #tpu.memory_space<vmem_shared>>) offsets(%dma_start3A_58 : memref<128xi32, #tpu.memory_space<vmem>>) semaphore(%run_scoped3A : memref<!tpu.dma_semaphore, #tpu.memory_space<semaphore_mem>>) {add = true}
        %dma_wait3A_62 = arith.constant 0 : i32
        %dma_wait3A_63 = tpu.memref_slice %arg8[%add3A_55, %dma_wait3A_62] : memref<158x128xi32, #tpu.memory_space<vmem>> -> memref<1x128xi32, #tpu.memory_space<vmem>>
        %dma_wait3A_64 = tpu.memref_squeeze %dma_wait3A_63 : memref<1x128xi32, #tpu.memory_space<vmem>> -> memref<128xi32, #tpu.memory_space<vmem>>
        %dma_wait3A_65 = arith.constant 0 : i32
        %dma_wait3A_66 = arith.constant 0 : i32
        %dma_wait3A_67 = tpu.memref_slice %arg13[%dma_wait3A_65, %dma_wait3A_66] : memref<10112x64xf32, #tpu.memory_space<vmem_shared>> -> memref<10112x64xf32, #tpu.memory_space<vmem_shared>>
        tpu.wait_indirect_dma semaphore(%run_scoped3A : memref<!tpu.dma_semaphore, #tpu.memory_space<semaphore_mem>>) src(%arg10 : memref<128x64xf32, #tpu.memory_space<vmem>>) dst(%dma_wait3A_67 : memref<10112x64xf32, #tpu.memory_space<vmem_shared>>)
        tpu.yield
      }) : () -> ()
    }
    %scan3A_20 = arith.constant 79 : i32
    %barrier3A_21 = arith.constant 0 : index
    tpu.barrier barrier_id(%barrier3A_21)
    "tpu.region"() ({
      %run_scoped3A = tpu.sem_alloc : memref<!tpu.dma_semaphore, #tpu.memory_space<semaphore_mem>>
      %dma_start3A_22 = arith.constant 0 : i32
      %dma_start3A_23 = tpu.memref_slice %arg6[%arg0, %mul3A_0, %dma_start3A_22] : memref<2x10112x64xf32, #tpu.memory_space<hbm>> -> memref<1x632x64xf32, #tpu.memory_space<hbm>>
      %dma_start3A_24 = tpu.memref_squeeze %dma_start3A_23 : memref<1x632x64xf32, #tpu.memory_space<hbm>> -> memref<632x64xf32, #tpu.memory_space<hbm>>
      %dma_start3A_25 = arith.constant 0 : i32
      %dma_start3A_26 = tpu.memref_slice %arg13[%mul3A_0, %dma_start3A_25] : memref<10112x64xf32, #tpu.memory_space<vmem_shared>> -> memref<632x64xf32, #tpu.memory_space<vmem_shared>>
      tpu.enqueue_dma source(%dma_start3A_26 : memref<632x64xf32, #tpu.memory_space<vmem_shared>>) target(%dma_start3A_24 : memref<632x64xf32, #tpu.memory_space<hbm>>) target_semaphore(%run_scoped3A : memref<!tpu.dma_semaphore, #tpu.memory_space<semaphore_mem>>)
      %dma_wait3A = arith.constant 0 : i32
      %dma_wait3A_27 = tpu.memref_slice %arg6[%arg0, %mul3A_0, %dma_wait3A] : memref<2x10112x64xf32, #tpu.memory_space<hbm>> -> memref<1x632x64xf32, #tpu.memory_space<hbm>>
      %dma_wait3A_28 = tpu.memref_squeeze %dma_wait3A_27 : memref<1x632x64xf32, #tpu.memory_space<hbm>> -> memref<632x64xf32, #tpu.memory_space<hbm>>
      %dma_wait3A_29 = arith.constant 0 : i32
      %dma_wait3A_30 = tpu.memref_slice %arg13[%mul3A_0, %dma_wait3A_29] : memref<10112x64xf32, #tpu.memory_space<vmem_shared>> -> memref<632x64xf32, #tpu.memory_space<vmem_shared>>
      tpu.wait_dma2 semaphore(%run_scoped3A : memref<!tpu.dma_semaphore, #tpu.memory_space<semaphore_mem>>) src(%dma_wait3A_30 : memref<632x64xf32, #tpu.memory_space<vmem_shared>>) dst(%dma_wait3A_28 : memref<632x64xf32, #tpu.memory_space<hbm>>)
      tpu.yield
    }) : () -> ()
    return
  }
}

module attributes {stable_mosaic.version = 14 : i64} {
  func.func @_mm_body(%arg0: i32, %arg1: memref<1264x128xf32, #tpu.memory_space<vmem>>, %arg2: memref<128x128xf32, #tpu.memory_space<vmem>>, %arg3: memref<2x1264x16xf32, #tpu.memory_space<vmem>>, %arg4: memref<2x1264x64xf32, #tpu.memory_space<vmem>>, %arg5: memref<1264x1xf32, #tpu.memory_space<vmem>>) attributes {dimension_semantics = [#tpu.dimension_semantics<arbitrary>], iteration_bounds = array<i64: 8>, scalar_prefetch = 0 : i64, scratch_operands = 0 : i64, tpu.core_type = #tpu.core_type<tc>, window_params = [{transform_indices = @transform_0, window_bounds = array<i64: 1264, 128>}, {pipeline_mode = #tpu.pipeline_mode<synchronous>, transform_indices = @transform_1, window_bounds = array<i64: 128, 128>}, {transform_indices = @transform_2, window_bounds = array<i64: 2, 1264, 16>}, {transform_indices = @transform_3, window_bounds = array<i64: 2, 1264, 64>}, {transform_indices = @transform_4, window_bounds = array<i64: 1264, 1>}]} {
    %get3A = arith.constant 0 : index
    %get3A_0 = arith.constant 0 : index
    %get3A_1 = arith.constant 0 : index
    %get3A_2 = vector.load %arg3[%get3A, %get3A_0, %get3A_1] : memref<2x1264x16xf32, #tpu.memory_space<vmem>>, vector<1x1264x1xf32>
    %get3A_3 = vector.shape_cast %get3A_2 : vector<1x1264x1xf32> to vector<1264x1xf32>
    %get3A_4 = arith.constant 1 : index
    %get3A_5 = arith.constant 0 : index
    %get3A_6 = arith.constant 0 : index
    %get3A_7 = vector.load %arg3[%get3A_4, %get3A_5, %get3A_6] : memref<2x1264x16xf32, #tpu.memory_space<vmem>>, vector<1x1264x1xf32>
    %get3A_8 = vector.shape_cast %get3A_7 : vector<1x1264x1xf32> to vector<1264x1xf32>
    %add3A = arith.addf %get3A_3, %get3A_8 : vector<1264x1xf32>
    %add3A_9 = arith.constant 1.000000e+00 : f32
    %add3A_10 = vector.broadcast %add3A_9 : f32 to vector<1264x1xf32>
    %add3A_11 = arith.addf %add3A, %add3A_10 : vector<1264x1xf32>
    %rsqrt3A = math.rsqrt %add3A_11 : vector<1264x1xf32>
    %get3A_12 = arith.constant 0 : index
    %get3A_13 = arith.constant 0 : index
    %get3A_14 = vector.load %arg1[%get3A_12, %get3A_13] : memref<1264x128xf32, #tpu.memory_space<vmem>>, vector<1264x128xf32>
    %get3A_15 = arith.constant 0 : index
    %get3A_16 = arith.constant 0 : index
    %get3A_17 = vector.load %arg2[%get3A_15, %get3A_16] : memref<128x128xf32, #tpu.memory_space<vmem>>, vector<128x128xf32>
    %dot_general3A = arith.constant dense<0.000000e+00> : vector<1264x128xf32>
    %dot_general3A_18 = tpu.matmul %get3A_14, %get3A_17, %dot_general3A {dimension_numbers = #tpu.dot_dimension_numbers<[1], [0], [0], [1], [0, 0, 1, 1], [], []>, transpose_lhs_hint = false} : vector<1264x128xf32>, vector<128x128xf32>, vector<1264x128xf32> -> vector<1264x128xf32>
    %mul3A = vector.broadcast %rsqrt3A : vector<1264x1xf32> to vector<1264x128xf32>
    %mul3A_19 = arith.mulf %dot_general3A_18, %mul3A : vector<1264x128xf32>
    %slice3A = vector.extract_strided_slice %mul3A_19 {offsets = [0, 0], sizes = [1264, 64], strides = [1, 1]} : vector<1264x128xf32> to vector<1264x64xf32>
    %swap3A = arith.constant 0 : index
    %swap3A_20 = arith.constant 0 : index
    %swap3A_21 = arith.constant 0 : index
    %swap3A_22 = vector.load %arg4[%swap3A, %swap3A_20, %swap3A_21] : memref<2x1264x64xf32, #tpu.memory_space<vmem>>, vector<1x1264x64xf32>
    %swap3A_23 = vector.shape_cast %swap3A_22 : vector<1x1264x64xf32> to vector<1264x64xf32>
    %swap3A_24 = vector.shape_cast %slice3A : vector<1264x64xf32> to vector<1x1264x64xf32>
    tpu.vector_store %arg4[%swap3A, %swap3A_20, %swap3A_21], %swap3A_24 {strides = array<i32>} : memref<2x1264x64xf32, #tpu.memory_space<vmem>>, vector<1x1264x64xf32>,
    %slice3A_25 = vector.extract_strided_slice %mul3A_19 {offsets = [0, 64], sizes = [1264, 64], strides = [1, 1]} : vector<1264x128xf32> to vector<1264x64xf32>
    %swap3A_26 = arith.constant 1 : index
    %swap3A_27 = arith.constant 0 : index
    %swap3A_28 = arith.constant 0 : index
    %swap3A_29 = vector.load %arg4[%swap3A_26, %swap3A_27, %swap3A_28] : memref<2x1264x64xf32, #tpu.memory_space<vmem>>, vector<1x1264x64xf32>
    %swap3A_30 = vector.shape_cast %swap3A_29 : vector<1x1264x64xf32> to vector<1264x64xf32>
    %swap3A_31 = vector.shape_cast %slice3A_25 : vector<1264x64xf32> to vector<1x1264x64xf32>
    tpu.vector_store %arg4[%swap3A_26, %swap3A_27, %swap3A_28], %swap3A_31 {strides = array<i32>} : memref<2x1264x64xf32, #tpu.memory_space<vmem>>, vector<1x1264x64xf32>,
    %swap3A_32 = arith.constant 0 : index
    %swap3A_33 = arith.constant 0 : index
    %swap3A_34 = vector.load %arg5[%swap3A_32, %swap3A_33] : memref<1264x1xf32, #tpu.memory_space<vmem>>, vector<1264x1xf32>
    tpu.vector_store %arg5[%swap3A_32, %swap3A_33], %rsqrt3A {strides = array<i32>} : memref<1264x1xf32, #tpu.memory_space<vmem>>, vector<1264x1xf32>,
    return
  }
  func.func @transform_0(%arg0: i32) -> (i32, i32) {
    %c0_i32 = arith.constant 0 : i32
    %c0_i32_0 = arith.constant 0 : i32
    return %arg0, %c0_i32 : i32, i32
  }
  func.func @transform_1(%arg0: i32) -> (i32, i32) {
    %c0_i32 = arith.constant 0 : i32
    %c0_i32_0 = arith.constant 0 : i32
    %c0_i32_1 = arith.constant 0 : i32
    return %c0_i32, %c0_i32_0 : i32, i32
  }
  func.func @transform_2(%arg0: i32) -> (i32, i32, i32) {
    %c0_i32 = arith.constant 0 : i32
    %c0_i32_0 = arith.constant 0 : i32
    %c0_i32_1 = arith.constant 0 : i32
    return %c0_i32, %arg0, %c0_i32_0 : i32, i32, i32
  }
  func.func @transform_3(%arg0: i32) -> (i32, i32, i32) {
    %c0_i32 = arith.constant 0 : i32
    %c0_i32_0 = arith.constant 0 : i32
    %c0_i32_1 = arith.constant 0 : i32
    return %c0_i32, %arg0, %c0_i32_0 : i32, i32, i32
  }
  func.func @transform_4(%arg0: i32) -> (i32, i32) {
    %c0_i32 = arith.constant 0 : i32
    %c0_i32_0 = arith.constant 0 : i32
    return %arg0, %c0_i32 : i32, i32
  }
}

module attributes {stable_mosaic.version = 14 : i64} {
  func.func @_ln_body(%arg0: i32, %arg1: memref<2x1264x64xf32, #tpu.memory_space<vmem>>, %arg2: memref<1264x1xf32, #tpu.memory_space<vmem>>, %arg3: memref<1x128xf32, #tpu.memory_space<vmem>>, %arg4: memref<1x128xf32, #tpu.memory_space<vmem>>, %arg5: memref<1x128xf32, #tpu.memory_space<vmem>>, %arg6: memref<1264x128xf32, #tpu.memory_space<vmem>>) attributes {dimension_semantics = [#tpu.dimension_semantics<arbitrary>], iteration_bounds = array<i64: 8>, scalar_prefetch = 0 : i64, scratch_operands = 0 : i64, tpu.core_type = #tpu.core_type<tc>, window_params = [{transform_indices = @transform_0, window_bounds = array<i64: 2, 1264, 64>}, {transform_indices = @transform_1, window_bounds = array<i64: 1264, 1>}, {pipeline_mode = #tpu.pipeline_mode<synchronous>, transform_indices = @transform_2, window_bounds = array<i64: 1, 128>}, {pipeline_mode = #tpu.pipeline_mode<synchronous>, transform_indices = @transform_3, window_bounds = array<i64: 1, 128>}, {pipeline_mode = #tpu.pipeline_mode<synchronous>, transform_indices = @transform_4, window_bounds = array<i64: 1, 128>}, {transform_indices = @transform_5, window_bounds = array<i64: 1264, 128>}]} {
    %get3A = arith.constant 0 : index
    %get3A_0 = arith.constant 0 : index
    %get3A_1 = arith.constant 0 : index
    %get3A_2 = vector.load %arg1[%get3A, %get3A_0, %get3A_1] : memref<2x1264x64xf32, #tpu.memory_space<vmem>>, vector<1x1264x64xf32>
    %get3A_3 = vector.shape_cast %get3A_2 : vector<1x1264x64xf32> to vector<1264x64xf32>
    %get3A_4 = arith.constant 1 : index
    %get3A_5 = arith.constant 0 : index
    %get3A_6 = arith.constant 0 : index
    %get3A_7 = vector.load %arg1[%get3A_4, %get3A_5, %get3A_6] : memref<2x1264x64xf32, #tpu.memory_space<vmem>>, vector<1x1264x64xf32>
    %get3A_8 = vector.shape_cast %get3A_7 : vector<1x1264x64xf32> to vector<1264x64xf32>
    %concatenate3A = tpu.concatenate %get3A_3, %get3A_8 in 1 : vector<1264x64xf32>, vector<1264x64xf32> -> vector<1264x128xf32>
    %get3A_9 = arith.constant 0 : index
    %get3A_10 = arith.constant 0 : index
    %get3A_11 = vector.load %arg2[%get3A_9, %get3A_10] : memref<1264x1xf32, #tpu.memory_space<vmem>>, vector<1264x1xf32>
    %mul3A = vector.broadcast %get3A_11 : vector<1264x1xf32> to vector<1264x128xf32>
    %mul3A_12 = arith.mulf %concatenate3A, %mul3A : vector<1264x128xf32>
    %get3A_13 = arith.constant 0 : index
    %get3A_14 = arith.constant 0 : index
    %get3A_15 = vector.load %arg3[%get3A_13, %get3A_14] : memref<1x128xf32, #tpu.memory_space<vmem>>, vector<1x128xf32>
    %add3A = vector.broadcast %get3A_15 : vector<1x128xf32> to vector<1264x128xf32>
    %add3A_16 = arith.addf %mul3A_12, %add3A : vector<1264x128xf32>
    %reduce_sum3A = arith.constant dense<0.000000e+00> : vector<1264xf32>
    %reduce_sum3A_17 = vector.multi_reduction <add>, %add3A_16, %reduce_sum3A [1] : vector<1264x128xf32> to vector<1264xf32>
    %broadcast_in_dim3A = vector.shape_cast %reduce_sum3A_17 : vector<1264xf32> to vector<1264x1xf32>
    %div3A = arith.constant 1.280000e+02 : f32
    %div3A_18 = vector.broadcast %div3A : f32 to vector<1264x1xf32>
    %div3A_19 = arith.divf %broadcast_in_dim3A, %div3A_18 : vector<1264x1xf32>
    %sub3A = vector.broadcast %div3A_19 : vector<1264x1xf32> to vector<1264x128xf32>
    %sub3A_20 = arith.subf %add3A_16, %sub3A : vector<1264x128xf32>
    %mul3A_21 = arith.mulf %sub3A_20, %sub3A_20 : vector<1264x128xf32>
    %reduce_sum3A_22 = arith.constant dense<0.000000e+00> : vector<1264xf32>
    %reduce_sum3A_23 = vector.multi_reduction <add>, %mul3A_21, %reduce_sum3A_22 [1] : vector<1264x128xf32> to vector<1264xf32>
    %broadcast_in_dim3A_24 = vector.shape_cast %reduce_sum3A_23 : vector<1264xf32> to vector<1264x1xf32>
    %div3A_25 = arith.constant 1.280000e+02 : f32
    %div3A_26 = vector.broadcast %div3A_25 : f32 to vector<1264x1xf32>
    %div3A_27 = arith.divf %broadcast_in_dim3A_24, %div3A_26 : vector<1264x1xf32>
    %add3A_28 = arith.constant 9.99999974E-6 : f32
    %add3A_29 = vector.broadcast %add3A_28 : f32 to vector<1264x1xf32>
    %add3A_30 = arith.addf %div3A_27, %add3A_29 : vector<1264x1xf32>
    %rsqrt3A = math.rsqrt %add3A_30 : vector<1264x1xf32>
    %mul3A_31 = vector.broadcast %rsqrt3A : vector<1264x1xf32> to vector<1264x128xf32>
    %mul3A_32 = arith.mulf %sub3A_20, %mul3A_31 : vector<1264x128xf32>
    %get3A_33 = arith.constant 0 : index
    %get3A_34 = arith.constant 0 : index
    %get3A_35 = vector.load %arg4[%get3A_33, %get3A_34] : memref<1x128xf32, #tpu.memory_space<vmem>>, vector<1x128xf32>
    %mul3A_36 = vector.broadcast %get3A_35 : vector<1x128xf32> to vector<1264x128xf32>
    %mul3A_37 = arith.mulf %mul3A_32, %mul3A_36 : vector<1264x128xf32>
    %get3A_38 = arith.constant 0 : index
    %get3A_39 = arith.constant 0 : index
    %get3A_40 = vector.load %arg5[%get3A_38, %get3A_39] : memref<1x128xf32, #tpu.memory_space<vmem>>, vector<1x128xf32>
    %add3A_41 = vector.broadcast %get3A_40 : vector<1x128xf32> to vector<1264x128xf32>
    %add3A_42 = arith.addf %mul3A_37, %add3A_41 : vector<1264x128xf32>
    %max3A = arith.constant 0.000000e+00 : f32
    %max3A_43 = vector.broadcast %max3A : f32 to vector<1264x128xf32>
    %max3A_44 = arith.maximumf %add3A_42, %max3A_43 : vector<1264x128xf32>
    %swap3A = arith.constant 0 : index
    %swap3A_45 = arith.constant 0 : index
    %swap3A_46 = vector.load %arg6[%swap3A, %swap3A_45] : memref<1264x128xf32, #tpu.memory_space<vmem>>, vector<1264x128xf32>
    tpu.vector_store %arg6[%swap3A, %swap3A_45], %max3A_44 {strides = array<i32>} : memref<1264x128xf32, #tpu.memory_space<vmem>>, vector<1264x128xf32>,
    return
  }
  func.func @transform_0(%arg0: i32) -> (i32, i32, i32) {
    %c0_i32 = arith.constant 0 : i32
    %c0_i32_0 = arith.constant 0 : i32
    %c0_i32_1 = arith.constant 0 : i32
    return %c0_i32, %arg0, %c0_i32_0 : i32, i32, i32
  }
  func.func @transform_1(%arg0: i32) -> (i32, i32) {
    %c0_i32 = arith.constant 0 : i32
    %c0_i32_0 = arith.constant 0 : i32
    return %arg0, %c0_i32 : i32, i32
  }
  func.func @transform_2(%arg0: i32) -> (i32, i32) {
    %c0_i32 = arith.constant 0 : i32
    %c0_i32_0 = arith.constant 0 : i32
    %c0_i32_1 = arith.constant 0 : i32
    return %c0_i32, %c0_i32_0 : i32, i32
  }
  func.func @transform_3(%arg0: i32) -> (i32, i32) {
    %c0_i32 = arith.constant 0 : i32
    %c0_i32_0 = arith.constant 0 : i32
    %c0_i32_1 = arith.constant 0 : i32
    return %c0_i32, %c0_i32_0 : i32, i32
  }
  func.func @transform_4(%arg0: i32) -> (i32, i32) {
    %c0_i32 = arith.constant 0 : i32
    %c0_i32_0 = arith.constant 0 : i32
    %c0_i32_1 = arith.constant 0 : i32
    return %c0_i32, %c0_i32_0 : i32, i32
  }
  func.func @transform_5(%arg0: i32) -> (i32, i32) {
    %c0_i32 = arith.constant 0 : i32
    %c0_i32_0 = arith.constant 0 : i32
    return %arg0, %c0_i32 : i32, i32
  }
}

</mosaic_0001>

<sc_bundles>
// kernel: kernel.6.cloned.1.call-start
scs
__scs_entry_jumppad:
0x0: {  	(pc) =	sbr.rel $0x88, $3  }
0x1: {  	(tag) =	ssettag $0x0;
	lr =	simm.s32 $0x1  }
0x2: {  	[smem:$0x3F9B] =	sst lr;
	_ =	strace $0xD0000000  }
0x3: {  	_ = 	snop  }
0x4: {  	_ = 	snop  }
0x5: {  	_ = 	snop  }
0x6: {  	_ = 	snop  }
0x7: {  	_ = 	snop  }
__scs_overlays_trampoline_lowered:
0x8: {  	[smem:$0x3FAA] =	sst s0  }
0x9: {  	[smem:$0x3FAB] =	sst s1  }
0xa: {  	[smem:$0x3FAC] =	sst s2  }
0xb: {  	[smem:$0x3FAD] =	sst s3  }
0xc: {  	[smem:$0x3FAE] =	sst s4  }
0xd: {  	[smem:$0x3FAF] =	sst s5  }
0xe: {  	[smem:$0x3FB0] =	sst s6  }
0xf: {  	[smem:$0x3FB1] =	sst s7  }
0x10: {  	[smem:$0x3FB2] =	sst s8  }
0x11: {  	[smem:$0x3FB3] =	sst s9;
	s0 =	simm.s32 @!p0 $0x0  }
0x12: {  	s1 =	sld [smem:$0x3F99];
	s0 =	simm.s32 @p0 $0x1  }
0x13: {  	[smem:$0x3FB4] =	sst s0;
	s0 =	simm.s32 @!p1 $0x0  }
0x14: {  	s2 =	sld [smem:$0x3F98];
	s0 =	simm.s32 @p1 $0x1  }
0x15: {  	[smem:$0x3FB5] =	sst s0;
	s0 =	simm.s32 @!p2 $0x0  }
0x16: {  	s3 =	sld [smem:$0x3FDB];
	s0 =	simm.s32 @p2 $0x1  }
0x17: {  	s4 =	simm.s32 $0x1BF5;
	[smem:$0x3FB7] =	sst s0  }
0x18: {  	s0 =	sld [smem:$0x3F9A];
	_ =	swait.ge [sflag:s4], $0x0  }
0x19: {  	s7 =	sld [smem:$0x3F9B]  }
0x1a: {  	s8 =	sadd.s32 $0xFFFFE003, lr  }
0x1b: {  	s9 =	sadd.s32 $0xFFFFFEF7, lr;
	s5 =	simm.s32 $0xFFFFFFFF;
	p2 =	slt.u32 s8, $0xFFFFF086  }
0x1c: {  	p1 =	slt.u32 s9, $0xF7A;
	s5 =	simm.s32 @!p2 $0x0  }
0x1d: {  	s5 =	simm.s32 @p1 $0x1;
	p0 =	seq.s32 s7, s2  }
0x1e: {  	s7 =	smul.u32 @!p0 $0xF7A, s2;
	p2 =	seq.s32 @!p0 s5, $0x0  }
0x1f: {  	s9 =	smul.u32 $0xF7A, s1;
	s8 =	simm.s32 @!p0 $0x1BF5;
	p2 =	por !p2, p0  }
0x20: {  	[sflag:s8] =	ssyncset.s32 @!p0 $0xFFFFF086;
	s6 =	sadd.s32 @!p0 s3, s7;
	s7 =	simm.s32 @!p0 $0x108  }
0x21: {  	s3 =	sadd.s32 s3, s9;
	s6 =	sadd.s32 @!p0 $0x88, s6;
	s7 =	simm.s32 @p2 $0x1082  }
0x22: {  	[simem:s7], [sflag:s8] =	dma.local @!p0 [hbm:s6], $0xF7A  }
0x23: {  	s9 =	sor.u32 $0xD0000000, s2;
	s6 =	simm.s32 $0x108;
	_ =	swait.ge @!p0 [sflag:s8], $0x0  }
0x24: {  	s3 =	sadd.s32 $0x88, s3;
	s6 =	simm.s32 @!p1 $0x1082;
	[sflag:s4] =	ssyncset.s32 $0xFFFFF086  }
0x25: {  	[simem:s6], [sflag:s4] =	dma.local [hbm:s3], $0xF7A  }
0x26: {  	[smem:$0x3F9B] =	sst s1;
	(tag) =	ssettag s2;
	_ =	strace s9  }
0x27: {  	s1 =	sld [smem:$0x3FAB]  }
0x28: {  	s2 =	sld [smem:$0x3FAC]  }
0x29: {  	s4 =	sld [smem:$0x3FAE]  }
0x2a: {  	p0 =	seq.s32 s5, $0x0;
	s5 =	sld [smem:$0x3FAF]  }
0x2b: {  	s6 =	sld [smem:$0x3FB0]  }
0x2c: {  	s7 =	sld [smem:$0x3FB1]  }
0x2d: {  	s3 =	simm.s32 $0x108;
	s8 =	sld [smem:$0x3FB2]  }
0x2e: {  	s3 =	simm.s32 @!p0 $0x1082;
	s9 =	sld [smem:$0x3FB3]  }
0x2f: {  	lr =	sadd.s32 s0, s3;
	s0 =	sld [smem:$0x3FAA]  }
0x30: {  	s3 =	sld [smem:$0x3FAD]  }
0x31: {  	[smem:$0x3FB6] =	sst s10  }
0x32: {  	s10 =	sld [smem:$0x3FB4];
	_ =	sdelay $0x3  }
0x33: {  	p0 =	seq.s32 s10, $0x1;
	s10 =	sld [smem:$0x3FB6];
	_ =	sdelay $0x3  }
0x34: {  	[smem:$0x3FB6] =	sst s10  }
0x35: {  	s10 =	sld [smem:$0x3FB5];
	_ =	sdelay $0x3  }
0x36: {  	p1 =	seq.s32 s10, $0x1;
	s10 =	sld [smem:$0x3FB6];
	_ =	sdelay $0x3  }
0x37: {  	[smem:$0x3FB6] =	sst s10  }
0x38: {  	s10 =	sld [smem:$0x3FB7]  }
0x39: {  	_ = 	snop;
	(pc) =	sbr.ind lr, $3  }
0x3a: {  	_ = 	snop  }
0x3b: {  	_ = 	snop  }
0x3c: {  	p2 =	seq.s32 s10, $0x1;
	s10 =	sld [smem:$0x3FB6]  }
0x3d: {  	_ =	shalt  }
0x3e: {  	_ =	shalt  }
0x3f: {  	_ =	shalt  }
0x40: {  	_ =	shalt  }
0x41: {  	_ =	shalt  }
0x42: {  	_ =	shalt  }
0x43: {  	_ =	shalt  }
0x44: {  	_ =	shalt  }
0x45: {  	_ =	shalt  }
0x46: {  	_ =	shalt  }
0x47: {  	_ =	shalt  }
0x48: {  	_ =	shalt  }
0x49: {  	_ =	shalt  }
0x4a: {  	_ =	shalt  }
0x4b: {  	_ =	shalt  }
0x4c: {  	_ =	shalt  }
0x4d: {  	_ =	shalt  }
0x4e: {  	_ =	shalt  }
0x4f: {  	_ =	shalt  }
0x50: {  	_ =	shalt  }
0x51: {  	_ =	shalt  }
0x52: {  	_ =	shalt  }
0x53: {  	_ =	shalt  }
0x54: {  	_ =	shalt  }
0x55: {  	_ =	shalt  }
0x56: {  	_ =	shalt  }
0x57: {  	_ =	shalt  }
0x58: {  	_ =	shalt  }
0x59: {  	_ =	shalt  }
0x5a: {  	_ =	shalt  }
0x5b: {  	_ =	shalt  }
0x5c: {  	_ =	shalt  }
0x5d: {  	_ =	shalt  }
0x5e: {  	_ =	shalt  }
0x5f: {  	_ =	shalt  }
0x60: {  	_ =	shalt  }
0x61: {  	_ =	shalt  }
0x62: {  	_ =	shalt  }
0x63: {  	_ =	shalt  }
0x64: {  	_ =	shalt  }
0x65: {  	_ =	shalt  }
0x66: {  	_ =	shalt  }
0x67: {  	_ =	shalt  }
0x68: {  	_ =	shalt  }
0x69: {  	_ =	shalt  }
0x6a: {  	_ =	shalt  }
0x6b: {  	_ =	shalt  }
0x6c: {  	_ =	shalt  }
0x6d: {  	_ =	shalt  }
0x6e: {  	_ =	shalt  }
0x6f: {  	_ =	shalt  }
0x70: {  	_ =	shalt  }
0x71: {  	_ =	shalt  }
0x72: {  	_ =	shalt  }
0x73: {  	_ =	shalt  }
0x74: {  	_ =	shalt  }
0x75: {  	_ =	shalt  }
0x76: {  	_ =	shalt  }
0x77: {  	_ =	shalt  }
0x78: {  	_ =	shalt  }
0x79: {  	_ =	shalt  }
0x7a: {  	_ =	shalt  }
0x7b: {  	_ =	shalt  }
0x7c: {  	_ =	shalt  }
0x7d: {  	_ =	shalt  }
0x7e: {  	_ =	shalt  }
0x7f: {  	_ =	shalt  }
0x80: {  	_ =	shalt  }
0x81: {  	_ =	shalt  }
0x82: {  	_ =	shalt  }
0x83: {  	_ =	shalt  }
0x84: {  	_ =	shalt  }
0x85: {  	_ =	shalt  }
0x86: {  	_ =	shalt  }
0x87: {  	_ =	shalt  }
.Lfunc_end0:
.L_simem_size_0:
called_computation_lowered:
.L_overlay_start_0:
0x88: {  	s2 =	sld [smem:$0x3FD9]  }
0x89: {  	s3 =	sld [smem:$0x3FFE];
	_ =	sdelay $0x1  }
0x8a: {  	s1 =	srdreg.scid  }
0x8b: {  	s0 =	sand.u32 $0x1, s1  }
0x8c: {  	s16 =	sshll.u32 s0, $0xA;
	s2 =	sadd.s32 s3, s2  }
0x8d: {  	s2 =	sadd.s32 s2, s16  }
0x8e: {  	[smem:$0x3FC2] =	sst s2  }
0x8f: {  	_ = 	snop  }
0x90: {  	(tm) =	ssettm $0x1  }
0x91: {  	s17 =	sld [smem:$0x3FFB];
	_ =	sdelay $0x3  }
0x92: {  	_ =	strace s17  }
0x93: {  	s2 =	sld [smem:$0x3FFC];
	_ =	sdelay $0x3  }
0x94: {  	_ =	strace s2  }
0x95: {  	s2 =	sld [smem:$0x3FFD];
	_ =	sdelay $0x3  }
0x96: {  	_ =	strace s2  }
0x97: {  	_ =	strace $0x8FFFFFFF  }
0x98: {  	s18 =	sld [smem:$0x3FDB];
	_ =	sdelay $0x1  }
0x99: {  	s19 =	simm.s32 $_scs_section_size  }
0x9a: {  	s4 =	simm.s32 $_size__tile_overlayer_lowered;
	s5 =	simm.s32 $_tile_overlayer_lowered  }
0x9b: {  	s22 =	simm.s32 $0x1BFF;
	s21 =	sshll.u32 s5, $0x1;
	s2 =	sadd.s32 s19, s18  }
0x9c: {  	s6 =	simm.s32 $0x0;
	s20 =	sshll.u32 s4, $0x1;
	s4 =	sadd.s32 s21, s2  }
0x9d: {  	[timem:s6], [sflag:s22] =	dma.local [hbm:s4], s20  }
0x9e: {  	_ =	swait.ge [sflag:s22], s20  }
0x9f: {  	s3 =	ssub.s32 $0x0, s20;
	[sflag:s22] =	ssyncset.done $0x0  }
0xa0: {  	[sflag:s22] =	ssyncadd.s32 s3;
	_ =	sdelay $0x1  }
0xa1: {  	s23 =	simm.s32 $0x1B8B  }
0xa2: {  	_ =	swait.ge [sflag:s23], $0x1  }
0xa3: {  	[sflag:s23] =	ssyncset.done $0x0  }
0xa4: {  	s25 =	simm.s32 $0x1B8E;
	s24 =	sld [smem:$0x3FFE];
	[sflag:s23] =	ssyncadd.s32 $0xFFFFFFFF  }
0xa5: {  	s26 =	simm.s32 $execute0_lowered;
	[smem:$0x3FD2] =	sst s25  }
0xa6: {  	s4 =	sshll.u32 s26, $0x1;
	_ =	strace $0x80000046;
	[dreg:$0x1] =	wrdreg $0xFFFFFFFF  }
0xa7: {  	s28 =	simm.s32 $_size_execute0_lowered;
	s2 =	sadd.s32 s2, s4;
	[dreg:$0x0] =	wrdreg $0x0  }
0xa8: {  	s4 =	sshll.u32 s28, $0x1;
	[dreg:$0x2] =	wrdreg s2  }
0xa9: {  	[dreg:$0x3] =	wrdreg s4  }
0xaa: {  	[dreg:$0x4] =	wrdreg $0xC0  }
0xab: {  	_ =	task [dreg:s6], $0x5FFFF  }
0xac: {  	[dreg:$0x1] =	wrdreg $0xFFFFFFFF  }
0xad: {  	[dreg:$0x0] =	wrdreg $0x60  }
0xae: {  	[dreg:$0x2] =	wrdreg s24  }
0xaf: {  	[dreg:$0x3] =	wrdreg $0x2F800  }
0xb0: {  	[dreg:$0x4] =	wrdreg $0x9  }
0xb1: {  	_ =	task.clear_ibuf [dreg:s6], $0x5FFFF;
	_ =	strace $0x90000046  }
0xb2: {  	s29 =	simm.s32 $0x9;
	_ =	strace $0x80000048  }
0xb3: {  	_ =	swait.ge [sflag:s29], $0x1  }
0xb4: {  	[sflag:s29] =	ssyncadd.s32 $0xFFFFFFFF  }
0xb5: {  	_ =	strace $0x90000048  }
0xb6: {  	_ =	sfence  }
0xb7: {  	s30 =	sld [smem:$0x0];
	_ =	sdelay $0x2  }
0xb8: {  	s31 =	sshll.u32 s1, $0xD;
	s1 =	sshrl.u32 s1, $0x2  }
0xb9: {  	s3 =	sand.u32 $0x4000, s31;
	s1 =	sadd.s32 s1, s30  }
0xba: {  	s0 =	sor.u32 s3, s0;
	s1 =	sshll.u32 s1, $0x11  }
0xbb: {  	s0 =	sor.u32 s1, s0  }
0xbc: {  	s0 =	sadd.s32 $0x8F2B, s0  }
0xbd: {  	[sflag:s0] =	ssyncadd.remote.s32 $0x1  }
0xbe: {  	_ =	sfence.sel $0xFFFF  }
0xbf: {  	[dreg:$0x0] =	wrdreg $0xFFFFFFFF;
	(pc) =	sbr.abs _section_cstart, $3  }
0xc0: {  	[dreg:$0x1] =	wrdreg $0xFFFFFFFF  }
0xc1: {  	_ =	task.clear_ibuf [dreg:s6], $0x2FFFF;
	_ =	strace $0x9FFFFFFF  }
0xc2: {  	(tm) =	ssettm $0x7FFFFFFF  }
0xc3: {  	_ =	shalt  }
tec
execute0_lowered:
.L_overlay_start_1:
0x0: {  	(tag) =	ssettag $0x1  }
0x1: {  	s6 =	rddreg [dreg:$0x0]  }
0x2: {  	s0 =	srdreg.scid;
	s2 =	rddreg [dreg:$0x1];
	s3 =	simm.s32 $0x0  }
0x3: {  	s13 =	simm.s32 $0x80;
	s5 =	sand.u32 $0x1, s0;
	s0 =	stileid.u32  }
0x4: {  	s14 =	simm.s32 $0x0;
	[smem:$0x7FF] =	sst s3;
	s7 =	smul.u32 $0x2780, s0  }
0x5: {  	s1 =	sshll.u32 s5, $0x4;
	s8 =	smul.u32 $0x27800, s5;
	s10 =	ssub.s32 $0x2, s5  }
0x6: {  	s5 =	sadd.s32 $0xB200, s6;
	s11 =	sshll.u32 s0, $0x6;
	s1 =	sor.u32 s0, s1  }
0x7: {  	s31 =	sshrl.u32 s10, $0x1;
	s11 =	sor.u32 $0x1C01, s11;
	s4 =	smul.u32 $0x4F0, s1  }
0x8: {  	s1 =	rddreg [dreg:$0x2];
	_ =	strace $0x80000047;
	s8 =	sadd.s32 s7, s8  }
0x9: {  	s10 =	ssub.s32 s10, s31;
	s12 =	sadd.s32 s7, s2;
	s8 =	sshrl.u32 s8, $0x3  }
0xa: {  	s12 =	sshrl.u32 s12, $0x3;
	s9 =	sadd.s32 s4, s6;
	s8 =	sadd.s32 s8, s6  }
0xb: {  	s4 =	sadd.s32 $0xB800, s6;
	s6 =	sadd.s32 $0x1400, s9;
	s7 =	sadd.s32 $0xBA00, s8  }
0xc: {  	s8 =	smax.u32 s10, $0x1;
	s9 =	simm.s32 $0x1;
	s10 =	simm.s32 $0x2780  }
.LBB2_1:
0xd: {  	[tilespmem:s3], [sflag:$0x1] =	stream.linear.gather [hbm4b:s6+s3], $0x2780, $0x38;
	[tilespmem:$0x5700] =	vst v63  }
0xe: {  	_ =	swait.ge [sflag:s9], $0x2780  }
0xf: {  	[sflag:s9] =	ssyncset.done $0x0  }
0x10: {  	[sflag:s9] =	ssyncadd.s32 $0xFFFFD880  }
0x11: {  	[tilespmem:s10], [sflag:$0x1] =	stream.linear.gather [hbm4b:s4+s3], $0x800, $0x38;
	[tilespmem:$0x5700] =	vst v63  }
0x12: {  	_ =	swait.ge [sflag:s9], $0x800  }
0x13: {  	[sflag:s9] =	ssyncset.done $0x0  }
0x14: {  	[sflag:s9] =	ssyncadd.s32 $0xFFFFF800  }
0x15: {  	[spmem:s12], [sflag:s11] =	dma.local [hbm:s5], $0x4F0  }
0x16: {  	_ =	swait.ge [sflag:s9], $0x4F0  }
0x17: {  	[sflag:s9] =	ssyncset.done $0x0  }
0x18: {  	[sflag:s9] =	ssyncadd.s32 $0xFFFFFB10  }
0x19: {  	s15 =	simm.s32 $0x0;
	[bflag:$0x0] =	sbarrier.arrive $0xFFFF  }
0x1a: {  	[spmem:s2] =	stream.indirect.scatter.add.f32 [tilespmem:s10], [sflag:$0x1], $0x10, s15, s13, $0xb8;
	[tilespmem:$0x5700] =	vst v63  }
0x1b: {  	_ =	swait.ge [sflag:s9], $0x800  }
0x1c: {  	s15 =	simm.s32 $0x200;
	[sflag:s9] =	ssyncset.done $0x0  }
.LBB2_2:
0x1d: {  	s16 =	sshra.s32 s15, $0x2;
	[sflag:s9] =	ssyncadd.s32 $0xFFFFF800;
	p0 =	sne.s32 s15, $0x9C00  }
0x1e: {  	[spmem:s2] =	stream.indirect.scatter.add.f32 [tilespmem:s10], [sflag:$0x1], $0x10, s16, s13, $0xb8;
	[tilespmem:$0x5700] =	vst v63  }
.Ltmp0:
0x1f: {  	_ = 	snop;
	(pc) =	sbr.rel @p0 .LBB2_2-.Ltmp0, $4  }
0x20: {  	_ = 	snop  }
0x21: {  	s15 =	sadd.s32 $0x200, s15  }
0x22: {  	_ =	swait.ge [sflag:s9], $0x800  }
0x23: {  	[sflag:s9] =	ssyncset.done $0x0  }
0x24: {  	s14 =	sadd.s32 $0x1, s14  }
0x25: {  	[sflag:s9] =	ssyncadd.s32 $0xFFFFF800;
	p0 =	sne.s32 s14, s8  }
.Ltmp1:
0x26: {  	[bflag:$0x0] =	sbarrier.arrive $0xFFFF;
	(pc) =	sbr.rel @p0 .LBB2_1-.Ltmp1, $4  }
0x27: {  	[hbm:s7], [sflag:s11] =	dma.local [spmem:s12], $0x4F0  }
0x28: {  	_ =	swait.ge [sflag:s9], $0x4F0  }
0x29: {  	[sflag:s9] =	ssyncset.done $0x0  }
0x2a: {  	[sflag:s9] =	ssyncadd.s32 $0xFFFFFB10  }
0x2b: {  	_ =	sfence.sel $0x180000  }
0x2c: {  	[bflag:$0x0] =	sbarrier.arrive $0xFFFF  }
0x2d: {  	p0 =	sne.s32 s0, $0x0;
	_ =	strace $0x90000047  }
0x2e: {  	s0 =	sadd.s32 @!p0 $0x100000, s1;
	[bflag:$0x2] =	sbarrier.arrive $0xFFFF  }
0x2f: {  	[sflag:s0] =	ssyncadd.tile.s32 @!p0 $0x1;
	_ =	shalt  }
.Lfunc_end2:
_tile_overlayer_lowered:
.L_overlay_start_2:
0x30: {  	(tag) =	ssettag $0x2  }
0x31: {  	s0 =	rddreg [dreg:$0x0];
	s2 =	stileid.u32  }
0x32: {  	s1 =	rddreg [dreg:$0x1];
	p0 =	sne.s32 s2, $0x0  }
0x33: {  	s3 =	rddreg [dreg:$0x2];
	[bflag:$0x3] =	sbarrier.arrive $0xFFFF;
	s2 =	simm.s32 @!p0 $0x1C01  }
0x34: {  	[timem:s3], [sflag:s2] =	dma.local @!p0 [hbm:s0], s1  }
0x35: {  	s0 =	simm.s32 @!p0 $0x1  }
0x36: {  	_ =	swait.ge @!p0 [sflag:s0], s1  }
0x37: {  	s1 =	ssub.s32 @!p0 $0x0, s1;
	[sflag:s0] =	ssyncset.done @!p0 $0x0  }
0x38: {  	[sflag:s0] =	ssyncadd.s32 @!p0 s1  }
0x39: {  	[bflag:$0x3] =	sbarrier.arrive $0xFFFF  }
0x3a: {  	_ =	shalt  }

// kernel: kernel.9.cloned.1.call-start
scs
__scs_entry_jumppad:
0x0: {  	(pc) =	sbr.rel $0x88, $3  }
0x1: {  	(tag) =	ssettag $0x0;
	lr =	simm.s32 $0x1  }
0x2: {  	[smem:$0x3F9B] =	sst lr;
	_ =	strace $0xD0000000  }
0x3: {  	_ = 	snop  }
0x4: {  	_ = 	snop  }
0x5: {  	_ = 	snop  }
0x6: {  	_ = 	snop  }
0x7: {  	_ = 	snop  }
__scs_overlays_trampoline_lowered:
0x8: {  	[smem:$0x3FAA] =	sst s0  }
0x9: {  	[smem:$0x3FAB] =	sst s1  }
0xa: {  	[smem:$0x3FAC] =	sst s2  }
0xb: {  	[smem:$0x3FAD] =	sst s3  }
0xc: {  	[smem:$0x3FAE] =	sst s4  }
0xd: {  	[smem:$0x3FAF] =	sst s5  }
0xe: {  	[smem:$0x3FB0] =	sst s6  }
0xf: {  	[smem:$0x3FB1] =	sst s7  }
0x10: {  	[smem:$0x3FB2] =	sst s8  }
0x11: {  	[smem:$0x3FB3] =	sst s9;
	s0 =	simm.s32 @!p0 $0x0  }
0x12: {  	s1 =	sld [smem:$0x3F99];
	s0 =	simm.s32 @p0 $0x1  }
0x13: {  	[smem:$0x3FB4] =	sst s0;
	s0 =	simm.s32 @!p1 $0x0  }
0x14: {  	s2 =	sld [smem:$0x3F98];
	s0 =	simm.s32 @p1 $0x1  }
0x15: {  	[smem:$0x3FB5] =	sst s0;
	s0 =	simm.s32 @!p2 $0x0  }
0x16: {  	s3 =	sld [smem:$0x3FDB];
	s0 =	simm.s32 @p2 $0x1  }
0x17: {  	s4 =	simm.s32 $0x1BF5;
	[smem:$0x3FB7] =	sst s0  }
0x18: {  	s0 =	sld [smem:$0x3F9A];
	_ =	swait.ge [sflag:s4], $0x0  }
0x19: {  	s7 =	sld [smem:$0x3F9B]  }
0x1a: {  	s8 =	sadd.s32 $0xFFFFE003, lr  }
0x1b: {  	s9 =	sadd.s32 $0xFFFFFEF7, lr;
	s5 =	simm.s32 $0xFFFFFFFF;
	p2 =	slt.u32 s8, $0xFFFFF086  }
0x1c: {  	p1 =	slt.u32 s9, $0xF7A;
	s5 =	simm.s32 @!p2 $0x0  }
0x1d: {  	s5 =	simm.s32 @p1 $0x1;
	p0 =	seq.s32 s7, s2  }
0x1e: {  	s7 =	smul.u32 @!p0 $0xF7A, s2;
	p2 =	seq.s32 @!p0 s5, $0x0  }
0x1f: {  	s9 =	smul.u32 $0xF7A, s1;
	s8 =	simm.s32 @!p0 $0x1BF5;
	p2 =	por !p2, p0  }
0x20: {  	[sflag:s8] =	ssyncset.s32 @!p0 $0xFFFFF086;
	s6 =	sadd.s32 @!p0 s3, s7;
	s7 =	simm.s32 @!p0 $0x108  }
0x21: {  	s3 =	sadd.s32 s3, s9;
	s6 =	sadd.s32 @!p0 $0x88, s6;
	s7 =	simm.s32 @p2 $0x1082  }
0x22: {  	[simem:s7], [sflag:s8] =	dma.local @!p0 [hbm:s6], $0xF7A  }
0x23: {  	s9 =	sor.u32 $0xD0000000, s2;
	s6 =	simm.s32 $0x108;
	_ =	swait.ge @!p0 [sflag:s8], $0x0  }
0x24: {  	s3 =	sadd.s32 $0x88, s3;
	s6 =	simm.s32 @!p1 $0x1082;
	[sflag:s4] =	ssyncset.s32 $0xFFFFF086  }
0x25: {  	[simem:s6], [sflag:s4] =	dma.local [hbm:s3], $0xF7A  }
0x26: {  	[smem:$0x3F9B] =	sst s1;
	(tag) =	ssettag s2;
	_ =	strace s9  }
0x27: {  	s1 =	sld [smem:$0x3FAB]  }
0x28: {  	s2 =	sld [smem:$0x3FAC]  }
0x29: {  	s4 =	sld [smem:$0x3FAE]  }
0x2a: {  	p0 =	seq.s32 s5, $0x0;
	s5 =	sld [smem:$0x3FAF]  }
0x2b: {  	s6 =	sld [smem:$0x3FB0]  }
0x2c: {  	s7 =	sld [smem:$0x3FB1]  }
0x2d: {  	s3 =	simm.s32 $0x108;
	s8 =	sld [smem:$0x3FB2]  }
0x2e: {  	s3 =	simm.s32 @!p0 $0x1082;
	s9 =	sld [smem:$0x3FB3]  }
0x2f: {  	lr =	sadd.s32 s0, s3;
	s0 =	sld [smem:$0x3FAA]  }
0x30: {  	s3 =	sld [smem:$0x3FAD]  }
0x31: {  	[smem:$0x3FB6] =	sst s10  }
0x32: {  	s10 =	sld [smem:$0x3FB4];
	_ =	sdelay $0x3  }
0x33: {  	p0 =	seq.s32 s10, $0x1;
	s10 =	sld [smem:$0x3FB6];
	_ =	sdelay $0x3  }
0x34: {  	[smem:$0x3FB6] =	sst s10  }
0x35: {  	s10 =	sld [smem:$0x3FB5];
	_ =	sdelay $0x3  }
0x36: {  	p1 =	seq.s32 s10, $0x1;
	s10 =	sld [smem:$0x3FB6];
	_ =	sdelay $0x3  }
0x37: {  	[smem:$0x3FB6] =	sst s10  }
0x38: {  	s10 =	sld [smem:$0x3FB7]  }
0x39: {  	_ = 	snop;
	(pc) =	sbr.ind lr, $3  }
0x3a: {  	_ = 	snop  }
0x3b: {  	_ = 	snop  }
0x3c: {  	p2 =	seq.s32 s10, $0x1;
	s10 =	sld [smem:$0x3FB6]  }
0x3d: {  	_ =	shalt  }
0x3e: {  	_ =	shalt  }
0x3f: {  	_ =	shalt  }
0x40: {  	_ =	shalt  }
0x41: {  	_ =	shalt  }
0x42: {  	_ =	shalt  }
0x43: {  	_ =	shalt  }
0x44: {  	_ =	shalt  }
0x45: {  	_ =	shalt  }
0x46: {  	_ =	shalt  }
0x47: {  	_ =	shalt  }
0x48: {  	_ =	shalt  }
0x49: {  	_ =	shalt  }
0x4a: {  	_ =	shalt  }
0x4b: {  	_ =	shalt  }
0x4c: {  	_ =	shalt  }
0x4d: {  	_ =	shalt  }
0x4e: {  	_ =	shalt  }
0x4f: {  	_ =	shalt  }
0x50: {  	_ =	shalt  }
0x51: {  	_ =	shalt  }
0x52: {  	_ =	shalt  }
0x53: {  	_ =	shalt  }
0x54: {  	_ =	shalt  }
0x55: {  	_ =	shalt  }
0x56: {  	_ =	shalt  }
0x57: {  	_ =	shalt  }
0x58: {  	_ =	shalt  }
0x59: {  	_ =	shalt  }
0x5a: {  	_ =	shalt  }
0x5b: {  	_ =	shalt  }
0x5c: {  	_ =	shalt  }
0x5d: {  	_ =	shalt  }
0x5e: {  	_ =	shalt  }
0x5f: {  	_ =	shalt  }
0x60: {  	_ =	shalt  }
0x61: {  	_ =	shalt  }
0x62: {  	_ =	shalt  }
0x63: {  	_ =	shalt  }
0x64: {  	_ =	shalt  }
0x65: {  	_ =	shalt  }
0x66: {  	_ =	shalt  }
0x67: {  	_ =	shalt  }
0x68: {  	_ =	shalt  }
0x69: {  	_ =	shalt  }
0x6a: {  	_ =	shalt  }
0x6b: {  	_ =	shalt  }
0x6c: {  	_ =	shalt  }
0x6d: {  	_ =	shalt  }
0x6e: {  	_ =	shalt  }
0x6f: {  	_ =	shalt  }
0x70: {  	_ =	shalt  }
0x71: {  	_ =	shalt  }
0x72: {  	_ =	shalt  }
0x73: {  	_ =	shalt  }
0x74: {  	_ =	shalt  }
0x75: {  	_ =	shalt  }
0x76: {  	_ =	shalt  }
0x77: {  	_ =	shalt  }
0x78: {  	_ =	shalt  }
0x79: {  	_ =	shalt  }
0x7a: {  	_ =	shalt  }
0x7b: {  	_ =	shalt  }
0x7c: {  	_ =	shalt  }
0x7d: {  	_ =	shalt  }
0x7e: {  	_ =	shalt  }
0x7f: {  	_ =	shalt  }
0x80: {  	_ =	shalt  }
0x81: {  	_ =	shalt  }
0x82: {  	_ =	shalt  }
0x83: {  	_ =	shalt  }
0x84: {  	_ =	shalt  }
0x85: {  	_ =	shalt  }
0x86: {  	_ =	shalt  }
0x87: {  	_ =	shalt  }
.Lfunc_end0:
.L_simem_size_0:
called_computation.1_lowered:
.L_overlay_start_0:
0x88: {  	s2 =	sld [smem:$0x3FD9]  }
0x89: {  	s3 =	sld [smem:$0x3FFE];
	_ =	sdelay $0x1  }
0x8a: {  	s1 =	srdreg.scid  }
0x8b: {  	s0 =	sand.u32 $0x1, s1  }
0x8c: {  	s17 =	sshll.u32 s0, $0xA;
	s2 =	sadd.s32 s3, s2  }
0x8d: {  	s2 =	sadd.s32 s2, s17  }
0x8e: {  	[smem:$0x3FC2] =	sst s2  }
0x8f: {  	_ = 	snop  }
0x90: {  	s2 =	sld [smem:$0x3FD0];
	(tm) =	ssettm $0x1  }
0x91: {  	s18 =	sld [smem:$0x3FFB];
	_ =	sdelay $0x3  }
0x92: {  	_ =	strace s18  }
0x93: {  	s3 =	sld [smem:$0x3FFC];
	_ =	sdelay $0x3  }
0x94: {  	_ =	strace s3  }
0x95: {  	s3 =	sld [smem:$0x3FFD];
	_ =	sdelay $0x3  }
0x96: {  	_ =	strace s3  }
0x97: {  	_ =	strace $0x8FFFFFFF  }
0x98: {  	s19 =	sld [smem:$0x3FDB];
	_ =	sdelay $0x1  }
0x99: {  	s4 =	simm.s32 $_scs_section_size  }
0x9a: {  	s5 =	simm.s32 $_size__tile_overlayer_lowered;
	s6 =	simm.s32 $_tile_overlayer_lowered  }
0x9b: {  	s22 =	simm.s32 $0x1BFF;
	s21 =	sshll.u32 s6, $0x1;
	s3 =	sadd.s32 s4, s19  }
0x9c: {  	s7 =	simm.s32 $0x0;
	s20 =	sshll.u32 s5, $0x1;
	s5 =	sadd.s32 s21, s3  }
0x9d: {  	[timem:s7], [sflag:s22] =	dma.local [hbm:s5], s20  }
0x9e: {  	_ =	swait.ge [sflag:s22], s20  }
0x9f: {  	s4 =	ssub.s32 $0x0, s20;
	[sflag:s22] =	ssyncset.done $0x0  }
0xa0: {  	[sflag:s22] =	ssyncadd.s32 s4;
	_ =	sdelay $0x1  }
0xa1: {  	s23 =	simm.s32 $0x1B8B  }
0xa2: {  	_ =	swait.ge [sflag:s23], $0x1  }
0xa3: {  	[sflag:s23] =	ssyncset.done $0x0  }
0xa4: {  	s25 =	simm.s32 $0x1B8E;
	s24 =	sld [smem:$0x3FFE];
	[sflag:s23] =	ssyncadd.s32 $0xFFFFFFFF  }
0xa5: {  	s26 =	simm.s32 $execute0_lowered;
	[smem:$0x3FD2] =	sst s25  }
0xa6: {  	s5 =	sshll.u32 s26, $0x1;
	_ =	strace $0x80000049;
	[dreg:$0x1] =	wrdreg $0xFFFFFFFF  }
0xa7: {  	s28 =	simm.s32 $_size_execute0_lowered;
	s3 =	sadd.s32 s3, s5;
	[dreg:$0x0] =	wrdreg $0x0  }
0xa8: {  	s5 =	sshll.u32 s28, $0x1;
	[dreg:$0x2] =	wrdreg s3  }
0xa9: {  	[dreg:$0x3] =	wrdreg s5  }
0xaa: {  	[dreg:$0x4] =	wrdreg $0xC0  }
0xab: {  	_ =	task [dreg:s7], $0x5FFFF  }
0xac: {  	[dreg:$0x1] =	wrdreg $0xFFFFFFFF  }
0xad: {  	[dreg:$0x0] =	wrdreg $0x60  }
0xae: {  	[dreg:$0x2] =	wrdreg s2  }
0xaf: {  	[dreg:$0x3] =	wrdreg s24  }
0xb0: {  	[dreg:$0x4] =	wrdreg $0xDE000  }
0xb1: {  	[dreg:$0x5] =	wrdreg $0x9  }
0xb2: {  	_ =	task.clear_ibuf [dreg:s7], $0x6FFFF;
	_ =	strace $0x90000049  }
0xb3: {  	s29 =	simm.s32 $0x9;
	_ =	strace $0x8000004B  }
0xb4: {  	_ =	swait.ge [sflag:s29], $0x1  }
0xb5: {  	[sflag:s29] =	ssyncadd.s32 $0xFFFFFFFF  }
0xb6: {  	_ =	strace $0x9000004B  }
0xb7: {  	_ =	sfence  }
0xb8: {  	s30 =	sld [smem:$0x0];
	_ =	sdelay $0x2  }
0xb9: {  	s31 =	sshll.u32 s1, $0xD;
	s1 =	sshrl.u32 s1, $0x2  }
0xba: {  	s3 =	sand.u32 $0x4000, s31;
	s1 =	sadd.s32 s1, s30  }
0xbb: {  	s0 =	sor.u32 s3, s0;
	s1 =	sshll.u32 s1, $0x11  }
0xbc: {  	s0 =	sor.u32 s1, s0  }
0xbd: {  	s0 =	sadd.s32 $0x8F2B, s0  }
0xbe: {  	[sflag:s0] =	ssyncadd.remote.s32 $0x1  }
0xbf: {  	_ =	sfence.sel $0xFFFF  }
0xc0: {  	[dreg:$0x0] =	wrdreg $0xFFFFFFFF;
	(pc) =	sbr.abs _section_cstart, $3  }
0xc1: {  	[dreg:$0x1] =	wrdreg $0xFFFFFFFF  }
0xc2: {  	_ =	task.clear_ibuf [dreg:s7], $0x2FFFF;
	_ =	strace $0x9FFFFFFF  }
0xc3: {  	(tm) =	ssettm $0x7FFFFFFF  }
tec
execute0_lowered:
.L_overlay_start_1:
0x0: {  	(tag) =	ssettag $0x1  }
0x1: {  	s9 =	rddreg [dreg:$0x0]  }
0x2: {  	s5 =	rddreg [dreg:$0x1]  }
0x3: {  	s2 =	rddreg [dreg:$0x2]  }
0x4: {  	s0 =	rddreg [dreg:$0x3];
	s1 =	stileid.u32  }
0x5: {  	s4 =	srdreg.scid;
	s3 =	simm.s32 $0x0;
	s16 =	simm.s32 $0x1  }
0x6: {  	s17 =	simm.s32 $0xBE00;
	s18 =	simm.s32 $0x2;
	s19 =	simm.s32 $0x4E80  }
0x7: {  	s20 =	simm.s32 $0x9D00;
	s21 =	simm.s32 $0x9D80;
	s10 =	smul.u32 $0x9E0, s1  }
0x8: {  	s22 =	simm.s32 $0x0;
	s6 =	sand.u32 $0x1, s4;
	s7 =	smul.u32 $0x9E00, s1  }
0x9: {  	[smem:$0x7FF] =	sst s3;
	s11 =	sadd.s32 $0x15800, s5;
	s12 =	smul.u32 $0x13C0, s1  }
0xa: {  	s31 =	sshll.u32 s1, $0x6;
	s4 =	smul.u32 $0x9E000, s6;
	_ =	strace $0x8000004A  }
0xb: {  	s14 =	ssub.s32 $0x2, s6;
	s15 =	smul.u32 $0x13C00, s6;
	p0 =	seq.s32 s6, $0x0  }
0xc: {  	s8 =	sadd.s32 s10, s5;
	s28 =	sshrl.u32 s14, $0x1;
	s30 =	sadd.s32 s7, s2  }
0xd: {  	s11 =	smov.u32 @p0 s9;
	s4 =	sadd.s32 s7, s4;
	s14 =	ssub.s32 s14, s28  }
0xe: {  	s29 =	sadd.s32 s12, s15;
	s9 =	sadd.s32 s11, s10;
	s10 =	simm.s32 $0x3  }
0xf: {  	s11 =	simm.s32 $0x4F00;
	s12 =	sor.u32 $0x1C03, s31;
	s13 =	sshrl.u32 s4, $0x3  }
0x10: {  	s15 =	simm.s32 $0x9E00;
	s4 =	sadd.s32 $0x1F600, s5;
	s13 =	sadd.s32 s13, s5  }
0x11: {  	s5 =	sadd.s32 $0x1400, s8;
	s6 =	sadd.s32 s4, s29;
	s8 =	smax.u32 s14, $0x1  }
0x12: {  	s14 =	simm.s32 $0x80;
	s7 =	sadd.s32 $0x46E00, s13;
	s13 =	sshrl.u32 s30, $0x3  }
.LBB2_1:
0x13: {  	[tilespmem:s3], [sflag:$0x3] =	stream.linear.gather [hbm4b:s9+s3], $0x4F00, $0x38;
	[tilespmem:$0x17C00] =	vst v63  }
0x14: {  	_ =	swait.ge [sflag:s10], $0x4F00  }
0x15: {  	[sflag:s10] =	ssyncset.done $0x0  }
0x16: {  	[sflag:s10] =	ssyncadd.s32 $0xFFFFB100  }
0x17: {  	[tilespmem:s11], [sflag:$0x3] =	stream.linear.gather [hbm4b:s5+s3], $0x4F00, $0x38;
	[tilespmem:$0x17C00] =	vst v63  }
0x18: {  	_ =	swait.ge [sflag:s10], $0x4F00  }
0x19: {  	[sflag:s10] =	ssyncset.done $0x0  }
0x1a: {  	[sflag:s10] =	ssyncadd.s32 $0xFFFFB100  }
0x1b: {  	[spmem:s13], [sflag:s12] =	dma.local [hbm:s6], $0x13C0  }
0x1c: {  	_ =	swait.ge [sflag:s10], $0x13C0  }
0x1d: {  	[sflag:s10] =	ssyncset.done $0x0  }
0x1e: {  	[sflag:s10] =	ssyncadd.s32 $0xFFFFEC40  }
0x1f: {  	[bflag:$0x0] =	sbarrier.arrive $0xFFFF  }
0x20: {  	[tilespmem:s15], [sflag:$0x1] =	stream.indirect.gather [hbm4b:s4+s14], $0x40, s3, s14, $0xb8;
	[tilespmem:$0x17C00] =	vst v63  }
0x21: {  	_ =	swait.ge [sflag:s16], $0x2000  }
0x22: {  	[sflag:s16] =	ssyncset.done $0x0  }
0x23: {  	s23 =	simm.s32 $0x80;
	[sflag:s16] =	ssyncadd.s32 $0xFFFFE000  }
0x24: {  	[tilespmem:s17], [sflag:$0x2] =	stream.indirect.gather [hbm4b:s4+s14], $0x40, s23, s14, $0xb8;
	[tilespmem:$0x17C00] =	vst v63  }
0x25: {  	s29 =	simm.s32 $0x4F00  }
0x26: {  	[spmem:s2] =	stream.indirect.scatter.add.f32 [tilespmem:s15], [sflag:$0x3], $0x40, s29, s14, $0xb8;
	[tilespmem:$0x17C00] =	vst v63  }
0x27: {  	_ =	swait.ge [sflag:s10], $0x2000  }
0x28: {  	[sflag:s10] =	ssyncset.done $0x0  }
0x29: {  	[sflag:s10] =	ssyncadd.s32 $0xFFFFE000  }
0x2a: {  	_ =	swait.ge [sflag:s18], $0x2000  }
0x2b: {  	[sflag:s18] =	ssyncset.done $0x0  }
0x2c: {  	s30 =	simm.s32 $0x100;
	[sflag:s18] =	ssyncadd.s32 $0xFFFFE000  }
0x2d: {  	[tilespmem:s15], [sflag:$0x1] =	stream.indirect.gather [hbm4b:s4+s14], $0x40, s30, s14, $0xb8;
	[tilespmem:$0x17C00] =	vst v63  }
0x2e: {  	s31 =	simm.s32 $0x4F80  }
0x2f: {  	[spmem:s2] =	stream.indirect.scatter.add.f32 [tilespmem:s17], [sflag:$0x3], $0x40, s31, s14, $0xb8;
	[tilespmem:$0x17C00] =	vst v63  }
0x30: {  	_ =	swait.ge [sflag:s10], $0x2000  }
0x31: {  	s23 =	simm.s32 $0x400;
	[sflag:s10] =	ssyncset.done $0x0  }
.LBB2_2:
0x32: {  	p0 =	sne.s32 s23, $0x13400  }
0x33: {  	[sflag:s10] =	ssyncadd.s32 $0xFFFFE000;
	s24 =	smov.u32 s23;
	s23 =	sadd.s32 $0x400, s23  }
0x34: {  	_ = 	snop  }
0x35: {  	_ =	swait.ge [sflag:s16], $0x2000  }
0x36: {  	s24 =	sshra.s32 s24, $0x2;
	[sflag:s16] =	ssyncset.done $0x0  }
0x37: {  	s25 =	sadd.s32 $0x80, s24;
	[sflag:s16] =	ssyncadd.s32 $0xFFFFE000  }
0x38: {  	[tilespmem:s17], [sflag:$0x2] =	stream.indirect.gather [hbm4b:s4+s14], $0x40, s25, s14, $0xb8;
	[tilespmem:$0x17C00] =	vst v63  }
0x39: {  	s25 =	sadd.s32 $0x4F00, s24  }
0x3a: {  	[spmem:s2] =	stream.indirect.scatter.add.f32 [tilespmem:s15], [sflag:$0x3], $0x40, s25, s14, $0xb8;
	[tilespmem:$0x17C00] =	vst v63  }
0x3b: {  	_ =	swait.ge [sflag:s10], $0x2000  }
0x3c: {  	[sflag:s10] =	ssyncset.done $0x0  }
0x3d: {  	[sflag:s10] =	ssyncadd.s32 $0xFFFFE000  }
0x3e: {  	_ =	swait.ge [sflag:s18], $0x2000  }
0x3f: {  	[sflag:s18] =	ssyncset.done $0x0  }
0x40: {  	s25 =	sadd.s32 $0x100, s24;
	[sflag:s18] =	ssyncadd.s32 $0xFFFFE000  }
0x41: {  	[tilespmem:s15], [sflag:$0x1] =	stream.indirect.gather [hbm4b:s4+s14], $0x40, s25, s14, $0xb8;
	[tilespmem:$0x17C00] =	vst v63  }
.Ltmp0:
0x42: {  	_ = 	snop;
	(pc) =	sbr.rel @p0 .LBB2_2-.Ltmp0, $4  }
0x43: {  	s24 =	sadd.s32 $0x4F80, s24  }
0x44: {  	[spmem:s2] =	stream.indirect.scatter.add.f32 [tilespmem:s17], [sflag:$0x3], $0x40, s24, s14, $0xb8;
	[tilespmem:$0x17C00] =	vst v63  }
0x45: {  	_ =	swait.ge [sflag:s10], $0x2000  }
0x46: {  	[sflag:s10] =	ssyncset.done $0x0  }
0x47: {  	[sflag:s10] =	ssyncadd.s32 $0xFFFFE000  }
0x48: {  	_ =	swait.ge [sflag:s16], $0x2000  }
0x49: {  	[sflag:s16] =	ssyncset.done $0x0  }
0x4a: {  	[sflag:s16] =	ssyncadd.s32 $0xFFFFE000  }
0x4b: {  	[tilespmem:s17], [sflag:$0x2] =	stream.indirect.gather [hbm4b:s4+s14], $0x40, s19, s14, $0xb8;
	[tilespmem:$0x17C00] =	vst v63  }
0x4c: {  	_ = 	snop  }
0x4d: {  	[spmem:s2] =	stream.indirect.scatter.add.f32 [tilespmem:s15], [sflag:$0x3], $0x40, s20, s14, $0xb8;
	[tilespmem:$0x17C00] =	vst v63  }
0x4e: {  	_ =	swait.ge [sflag:s10], $0x2000  }
0x4f: {  	[sflag:s10] =	ssyncset.done $0x0  }
0x50: {  	[sflag:s10] =	ssyncadd.s32 $0xFFFFE000  }
0x51: {  	_ =	swait.ge [sflag:s18], $0x2000  }
0x52: {  	[sflag:s18] =	ssyncset.done $0x0  }
0x53: {  	[sflag:s18] =	ssyncadd.s32 $0xFFFFE000  }
0x54: {  	[spmem:s2] =	stream.indirect.scatter.add.f32 [tilespmem:s17], [sflag:$0x3], $0x40, s21, s14, $0xb8;
	[tilespmem:$0x17C00] =	vst v63  }
0x55: {  	_ =	swait.ge [sflag:s10], $0x2000  }
0x56: {  	s22 =	sadd.s32 $0x1, s22;
	[sflag:s10] =	ssyncset.done $0x0  }
0x57: {  	p0 =	sne.s32 s22, s8;
	[sflag:s10] =	ssyncadd.s32 $0xFFFFE000  }
.Ltmp1:
0x58: {  	[bflag:$0x0] =	sbarrier.arrive $0xFFFF;
	(pc) =	sbr.rel @p0 .LBB2_1-.Ltmp1, $4  }
0x59: {  	[hbm:s7], [sflag:s12] =	dma.local [spmem:s13], $0x13C0  }
0x5a: {  	_ =	swait.ge [sflag:s10], $0x13C0  }
0x5b: {  	[sflag:s10] =	ssyncset.done $0x0  }
0x5c: {  	[sflag:s10] =	ssyncadd.s32 $0xFFFFEC40  }
0x5d: {  	_ =	sfence.sel $0x180000  }
0x5e: {  	[bflag:$0x0] =	sbarrier.arrive $0xFFFF  }
0x5f: {  	p0 =	sne.s32 s1, $0x0;
	_ =	strace $0x9000004A  }
0x60: {  	s0 =	sadd.s32 @!p0 $0x100000, s0;
	[bflag:$0x2] =	sbarrier.arrive $0xFFFF  }
0x61: {  	[sflag:s0] =	ssyncadd.tile.s32 @!p0 $0x1;
	_ =	shalt  }
.Lfunc_end2:
_tile_overlayer_lowered:
.L_overlay_start_2:
0x62: {  	(tag) =	ssettag $0x2  }
0x63: {  	s0 =	rddreg [dreg:$0x0];
	s2 =	stileid.u32  }
0x64: {  	s1 =	rddreg [dreg:$0x1];
	p0 =	sne.s32 s2, $0x0  }
0x65: {  	s3 =	rddreg [dreg:$0x2];
	[bflag:$0x3] =	sbarrier.arrive $0xFFFF;
	s2 =	simm.s32 @!p0 $0x1C03  }
0x66: {  	[timem:s3], [sflag:s2] =	dma.local @!p0 [hbm:s0], s1  }
0x67: {  	s0 =	simm.s32 @!p0 $0x3  }
0x68: {  	_ =	swait.ge @!p0 [sflag:s0], s1  }
0x69: {  	s1 =	ssub.s32 @!p0 $0x0, s1;
	[sflag:s0] =	ssyncset.done @!p0 $0x0  }
0x6a: {  	[sflag:s0] =	ssyncadd.s32 @!p0 s1  }
0x6b: {  	[bflag:$0x3] =	sbarrier.arrive $0xFFFF  }
0x6c: {  	_ =	shalt  }

</sc_bundles>
